<compile_context>
chip_gen: v7x
topology: tpu7x:2x2x1
jax: 0.10.2.dev20260603
libtpu: 0.0.44.dev20260713+nightly
codegen_flags: <defaults>
</compile_context>

<pallas_src>
import functools

import jax
import jax.numpy as jnp
from jax import lax
from jax.experimental import pallas as pl
from jax.experimental.pallas import tpu as pltpu
from jax.experimental.pallas import tpu_sc as plsc

_B, _C, _H, _W = 32, 2, 512, 512
_HW = _H * _W
_NC, _NS, _L = 2, 16, 16
_NWORK = _NC * _NS
_K_SC = 4
_WPB = _NWORK // _K_SC
_WPIX = _HW // _WPB
_CHUNK = 16384
_NCHUNK = _WPIX // _CHUNK
_INNER = _CHUNK // _L

_LN2 = 0.6931471805599453
_SCALE = -1.0 / float(_B * _HW)
_LOG_C = (
    9.975032551941786e-06 - 127.0 * _LN2,
    0.9992354838332754,
    -0.4902307234234105,
    0.285272681090574,
    -0.13158182508876004,
    0.03044900453866886,
)

_mesh = plsc.VectorSubcoreMesh(
    core_axis_name="c", subcore_axis_name="s", num_cores=_NC, num_subcores=_NS
)


@functools.partial(
    pl.kernel,
    out_type=jax.ShapeDtypeStruct((_NWORK, _L), jnp.float32),
    mesh=_mesh,
    scratch_types=[
        pltpu.VMEM((2, _CHUNK), jnp.float32),
        pltpu.VMEM((2, _CHUNK), jnp.float32),
        pltpu.VMEM((2, _CHUNK), jnp.int32),
        pltpu.VMEM((_L,), jnp.float32),
        pltpu.SemaphoreType.DMA,
        pltpu.SemaphoreType.DMA,
    ],
    compiler_params=pltpu.CompilerParams(needs_layout_passes=False),
)
def _focal_sc(x_hbm, t_hbm, out_hbm, a_buf, b_buf, t_buf, out_v, sem0, sem1):
    cid = lax.axis_index("c")
    sid = lax.axis_index("s")
    w = sid * _NC + cid
    bb = w // _WPB
    base = (w % _WPB) * _WPIX

    sems = (sem0, sem1)

    def start(slot, ci):
        off = pl.ds(base + ci * _CHUNK, _CHUNK)
        sem = sems[slot]
        return (
            pltpu.async_copy(x_hbm.at[bb, 0, off], a_buf.at[slot], sem),
            pltpu.async_copy(x_hbm.at[bb, 1, off], b_buf.at[slot], sem),
            pltpu.async_copy(t_hbm.at[bb, off], t_buf.at[slot], sem),
        )

    inflight = {0: start(0, 0)}

    def step(i, acc, slot):
        off = pl.ds(i * _L, _L)
        a = a_buf[slot, off]
        b = b_buf[slot, off]
        t = t_buf[slot, off]
        p = jnp.where(t == 0, a, b)
        bits = plsc.bitcast(p, jnp.int32)
        e = lax.convert_element_type(
            lax.shift_right_arithmetic(bits, 23), jnp.float32
        )
        r = plsc.bitcast(
            lax.bitwise_or(lax.bitwise_and(bits, 0x007FFFFF), 0x3F800000),
            jnp.float32,
        ) - 1.0
        poly = _LOG_C[5]
        for c in (_LOG_C[4], _LOG_C[3], _LOG_C[2], _LOG_C[1], _LOG_C[0]):
            poly = poly * r + c
        logp = poly + e * _LN2
        om = 1.0 - p
        return acc + (om * om) * logp

    acc = jnp.zeros((_L,), jnp.float32)
    for ci in range(_NCHUNK):
        slot = ci % 2
        if ci + 1 < _NCHUNK:
            inflight[1 - slot] = start(1 - slot, ci + 1)
        for cp in inflight[slot]:
            cp.wait()
        acc = lax.fori_loop(
            0, _INNER, lambda i, a: step(i, a, slot), acc, unroll=4
        )

    out_v[...] = acc
    pltpu.sync_copy(out_v, out_hbm.at[w])


def _tc_body(x_ref, t_ref, o_ref):
    a = x_ref[0, 0]
    b = x_ref[0, 1]
    t = t_ref[0]
    p = jnp.where(t == 0, a, b)
    bits = lax.bitcast_convert_type(p, jnp.int32)
    e = lax.convert_element_type(
        lax.shift_right_arithmetic(bits, 23), jnp.float32
    )
    r = lax.bitcast_convert_type(
        lax.bitwise_or(lax.bitwise_and(bits, 0x007FFFFF), 0x3F800000),
        jnp.float32,
    ) - 1.0
    poly = jnp.float32(_LOG_C[5])
    for c in (_LOG_C[4], _LOG_C[3], _LOG_C[2], _LOG_C[1], _LOG_C[0]):
        poly = poly * r + jnp.float32(c)
    logp = poly + e * jnp.float32(_LN2)
    om = 1.0 - p
    vals = (om * om) * logp
    s = (
        vals[:, 0:128] + vals[:, 128:256] + vals[:, 256:384] + vals[:, 384:512]
    )
    o_ref[0] = jnp.sum(s.reshape(64, 8, 128), axis=0)


_N_TC = _B - _K_SC

_focal_tc = pl.pallas_call(
    _tc_body,
    grid=(_N_TC,),
    in_specs=[
        pl.BlockSpec((1, _C, _H, _W), lambda i: (i + _K_SC, 0, 0, 0)),
        pl.BlockSpec((1, _H, _W), lambda i: (i + _K_SC, 0, 0)),
    ],
    out_specs=pl.BlockSpec((1, 8, 128), lambda i: (i, 0, 0)),
    out_shape=jax.ShapeDtypeStruct((_N_TC, 8, 128), jnp.float32),
    compiler_params=pltpu.CompilerParams(
        dimension_semantics=("arbitrary",)
    ),
)


def kernel(inputs, targets):
    x_sc = inputs[:_K_SC].reshape(_K_SC, _C, _HW)
    t_sc = targets[:_K_SC].reshape(_K_SC, _HW)
    sc_part = _focal_sc(x_sc, t_sc)
    t4 = targets.reshape(_B, _H, _W)
    tc_part = _focal_tc(inputs, t4)
    return (jnp.sum(sc_part) + jnp.sum(tc_part)) * jnp.float32(_SCALE)

# --- scband reference (transcript-rebuilt; emitter-appended) ---
"""Pipeline reference for scband-focal-loss-87196426043620 (READ-ONLY COPY).

The authoritative reference and input builder live on the scoring server;
editing this copy changes nothing except your own understanding.
"""

import jax, jax.numpy as jnp
import numpy as np

GAMMA = 2.0

def setup_inputs(seed: int = 0) -> dict:
    key = jax.random.key(seed)
    k1, k2 = jax.random.split(key)
    inputs = jax.random.uniform(k1, (32, 2, 512, 512), dtype=jnp.float32, minval=1e-4, maxval=1.0)
    targets = jax.random.randint(k2, (32, 1, 512, 512), 0, 2).astype(jnp.int32)
    return {"inputs": inputs, "targets": targets}

def reference(inputs, targets):
    B, C, H, W = inputs.shape
    tgt = targets.reshape(B, 1, H, W)
    # scatter_(1, targets, 1.0) -> one-hot class mask along channel dim
    class_mask = (jnp.arange(C, dtype=tgt.dtype).reshape(1, C, 1, 1) == tgt).astype(inputs.dtype)
    probs = (inputs * class_mask).sum(axis=1).reshape(-1, 1)
    log_p = jnp.log(probs)
    batch_loss = -1.0 * jnp.power(1.0 - probs, GAMMA) * log_p
    loss = batch_loss.mean()
    return loss

if __name__ == "__main__":
    import jax
    _d = setup_inputs()
    print(jax.jit(kernel)(*tuple(_d.values())))

</pallas_src>

<mosaic_0001>
#map = affine_map<(d0, d1) -> (0, 0, 0)>
#map1 = affine_map<(d0, d1) -> (0, 0)>
module attributes {stable_mosaic.version = 14 : i64} {
  func.func @_focal_sc(%arg0: i32, %arg1: i32, %arg2: memref<4x2x262144xf32, #tpu.memory_space<hbm>>, %arg3: memref<4x262144xi32, #tpu.memory_space<hbm>>, %arg4: memref<32x16xf32, #tpu.memory_space<hbm>>, %arg5: memref<2x16384xf32, #tpu.memory_space<vmem>>, %arg6: memref<2x16384xf32, #tpu.memory_space<vmem>>, %arg7: memref<2x16384xi32, #tpu.memory_space<vmem>>, %arg8: memref<16xf32, #tpu.memory_space<vmem>>, %arg9: memref<!tpu.dma_semaphore, #tpu.memory_space<semaphore_mem>>, %arg10: memref<!tpu.dma_semaphore, #tpu.memory_space<semaphore_mem>>) attributes {dimension_semantics = [#tpu.dimension_semantics<core_parallel>, #tpu.dimension_semantics<subcore_parallel>], iteration_bounds = array<i64: 2, 16>, scalar_prefetch = 0 : i64, scratch_operands = 6 : i64, tpu.core_type = #tpu.core_type<sc_vector_subcore>, window_params = [{transform_indices = #map}, {transform_indices = #map1}, {transform_indices = #map1}]} {
    %mul3A = arith.constant 2 : i32
    %mul3A_0 = arith.muli %arg1, %mul3A : i32
    %add3A = arith.addi %mul3A_0, %arg0 : i32
    %jit3A = arith.constant 8 : i32
    %div3A = arith.divsi %add3A, %jit3A : i32
    %sign3A = arith.constant 0 : i32
    %sign3A_1 = arith.cmpi sgt, %add3A, %sign3A : i32
    %sign3A_2 = arith.extui %sign3A_1 : i1 to i32
    %sign3A_3 = arith.constant 0 : i32
    %sign3A_4 = arith.cmpi slt, %add3A, %sign3A_3 : i32
    %sign3A_5 = arith.extui %sign3A_4 : i1 to i32
    %sign3A_6 = arith.subi %sign3A_2, %sign3A_5 : i32
    %sign3A_7 = arith.constant 0 : i32
    %sign3A_8 = arith.cmpi sgt, %jit3A, %sign3A_7 : i32
    %sign3A_9 = arith.extui %sign3A_8 : i1 to i32
    %sign3A_10 = arith.constant 0 : i32
    %sign3A_11 = arith.cmpi slt, %jit3A, %sign3A_10 : i32
    %sign3A_12 = arith.extui %sign3A_11 : i1 to i32
    %sign3A_13 = arith.subi %sign3A_9, %sign3A_12 : i32
    %ne3A = arith.cmpi ne, %sign3A_6, %sign3A_13 : i32
    %rem3A = arith.remsi %add3A, %jit3A : i32
    %ne3A_14 = arith.constant 0 : i32
    %ne3A_15 = arith.cmpi ne, %rem3A, %ne3A_14 : i32
    %and3A = arith.andi %ne3A, %ne3A_15 : i1
    %sub3A = arith.constant 1 : i32
    %sub3A_16 = arith.subi %div3A, %sub3A : i32
    %select_n3A = arith.select %and3A, %sub3A_16, %div3A : i32
    %jit3A_17 = arith.constant 8 : i32
    %eq3A = arith.constant 0 : i32
    %eq3A_18 = arith.cmpi eq, %jit3A_17, %eq3A : i32
    %jit3A_19 = arith.constant 1 : i32
    %select_n3A_20 = arith.select %eq3A_18, %jit3A_19, %jit3A_17 : i32
    %rem3A_21 = arith.remsi %add3A, %select_n3A_20 : i32
    %ne3A_22 = arith.constant 0 : i32
    %ne3A_23 = arith.cmpi ne, %rem3A_21, %ne3A_22 : i32
    %lt3A = arith.constant 0 : i32
    %lt3A_24 = arith.cmpi slt, %rem3A_21, %lt3A : i32
    %lt3A_25 = arith.constant 0 : i32
    %lt3A_26 = arith.cmpi slt, %select_n3A_20, %lt3A_25 : i32
    %ne3A_27 = arith.xori %lt3A_24, %lt3A_26 : i1
    %and3A_28 = arith.andi %ne3A_27, %ne3A_23 : i1
    %add3A_29 = arith.addi %rem3A_21, %select_n3A_20 : i32
    %select_n3A_30 = arith.select %and3A_28, %add3A_29, %rem3A_21 : i32
    %mul3A_31 = arith.constant 32768 : i32
    %mul3A_32 = arith.muli %select_n3A_30, %mul3A_31 : i32
    %add3A_33 = arith.constant 0 : i32
    %add3A_34 = arith.addi %mul3A_32, %add3A_33 : i32
    %dma_start3A = arith.constant 0 : i32
    %dma_start3A_35 = arith.constant 0 : i32
    %dma_start3A_36 = arith.constant 0 : i32
    %dma_start3A_37 = tpu.memref_slice %arg5[%dma_start3A_35, %dma_start3A_36] : memref<2x16384xf32, #tpu.memory_space<vmem>> -> memref<1x16384xf32, #tpu.memory_space<vmem>>
    %dma_start3A_38 = tpu.memref_squeeze %dma_start3A_37 : memref<1x16384xf32, #tpu.memory_space<vmem>> -> memref<16384xf32, #tpu.memory_space<vmem>>
    %dma_start3A_39 = tpu.memref_slice %arg2[%select_n3A, %dma_start3A, %add3A_34] : memref<4x2x262144xf32, #tpu.memory_space<hbm>> -> memref<1x1x16384xf32, #tpu.memory_space<hbm>>
    %dma_start3A_40 = tpu.memref_squeeze %dma_start3A_39 : memref<1x1x16384xf32, #tpu.memory_space<hbm>> -> memref<16384xf32, #tpu.memory_space<hbm>>
    %dma_start3A_41 = arith.constant 0 : i32
    %dma_start3A_42 = tpu.memref_slice %arg5[%dma_start3A_35, %dma_start3A_41] : memref<2x16384xf32, #tpu.memory_space<vmem>> -> memref<1x16384xf32, #tpu.memory_space<vmem>>
    %dma_start3A_43 = tpu.memref_squeeze %dma_start3A_42 : memref<1x16384xf32, #tpu.memory_space<vmem>> -> memref<16384xf32, #tpu.memory_space<vmem>>
    %dma_start3A_44 = tpu.memref_slice %arg2[%select_n3A, %dma_start3A, %add3A_34] : memref<4x2x262144xf32, #tpu.memory_space<hbm>> -> memref<1x1x16384xf32, #tpu.memory_space<hbm>>
    %dma_start3A_45 = tpu.memref_squeeze %dma_start3A_44 : memref<1x1x16384xf32, #tpu.memory_space<hbm>> -> memref<16384xf32, #tpu.memory_space<hbm>>
    tpu.enqueue_dma source(%dma_start3A_45 : memref<16384xf32, #tpu.memory_space<hbm>>) target(%dma_start3A_43 : memref<16384xf32, #tpu.memory_space<vmem>>) target_semaphore(%arg9 : memref<!tpu.dma_semaphore, #tpu.memory_space<semaphore_mem>>)
    %dma_start3A_46 = arith.constant 1 : i32
    %dma_start3A_47 = arith.constant 0 : i32
    %dma_start3A_48 = arith.constant 0 : i32
    %dma_start3A_49 = tpu.memref_slice %arg6[%dma_start3A_47, %dma_start3A_48] : memref<2x16384xf32, #tpu.memory_space<vmem>> -> memref<1x16384xf32, #tpu.memory_space<vmem>>
    %dma_start3A_50 = tpu.memref_squeeze %dma_start3A_49 : memref<1x16384xf32, #tpu.memory_space<vmem>> -> memref<16384xf32, #tpu.memory_space<vmem>>
    %dma_start3A_51 = tpu.memref_slice %arg2[%select_n3A, %dma_start3A_46, %add3A_34] : memref<4x2x262144xf32, #tpu.memory_space<hbm>> -> memref<1x1x16384xf32, #tpu.memory_space<hbm>>
    %dma_start3A_52 = tpu.memref_squeeze %dma_start3A_51 : memref<1x1x16384xf32, #tpu.memory_space<hbm>> -> memref<16384xf32, #tpu.memory_space<hbm>>
    %dma_start3A_53 = arith.constant 0 : i32
    %dma_start3A_54 = tpu.memref_slice %arg6[%dma_start3A_47, %dma_start3A_53] : memref<2x16384xf32, #tpu.memory_space<vmem>> -> memref<1x16384xf32, #tpu.memory_space<vmem>>
    %dma_start3A_55 = tpu.memref_squeeze %dma_start3A_54 : memref<1x16384xf32, #tpu.memory_space<vmem>> -> memref<16384xf32, #tpu.memory_space<vmem>>
    %dma_start3A_56 = tpu.memref_slice %arg2[%select_n3A, %dma_start3A_46, %add3A_34] : memref<4x2x262144xf32, #tpu.memory_space<hbm>> -> memref<1x1x16384xf32, #tpu.memory_space<hbm>>
    %dma_start3A_57 = tpu.memref_squeeze %dma_start3A_56 : memref<1x1x16384xf32, #tpu.memory_space<hbm>> -> memref<16384xf32, #tpu.memory_space<hbm>>
    tpu.enqueue_dma source(%dma_start3A_57 : memref<16384xf32, #tpu.memory_space<hbm>>) target(%dma_start3A_55 : memref<16384xf32, #tpu.memory_space<vmem>>) target_semaphore(%arg9 : memref<!tpu.dma_semaphore, #tpu.memory_space<semaphore_mem>>)
    %dma_start3A_58 = arith.constant 0 : i32
    %dma_start3A_59 = arith.constant 0 : i32
    %dma_start3A_60 = tpu.memref_slice %arg7[%dma_start3A_58, %dma_start3A_59] : memref<2x16384xi32, #tpu.memory_space<vmem>> -> memref<1x16384xi32, #tpu.memory_space<vmem>>
    %dma_start3A_61 = tpu.memref_squeeze %dma_start3A_60 : memref<1x16384xi32, #tpu.memory_space<vmem>> -> memref<16384xi32, #tpu.memory_space<vmem>>
    %dma_start3A_62 = tpu.memref_slice %arg3[%select_n3A, %add3A_34] : memref<4x262144xi32, #tpu.memory_space<hbm>> -> memref<1x16384xi32, #tpu.memory_space<hbm>>
    %dma_start3A_63 = tpu.memref_squeeze %dma_start3A_62 : memref<1x16384xi32, #tpu.memory_space<hbm>> -> memref<16384xi32, #tpu.memory_space<hbm>>
    %dma_start3A_64 = arith.constant 0 : i32
    %dma_start3A_65 = tpu.memref_slice %arg7[%dma_start3A_58, %dma_start3A_64] : memref<2x16384xi32, #tpu.memory_space<vmem>> -> memref<1x16384xi32, #tpu.memory_space<vmem>>
    %dma_start3A_66 = tpu.memref_squeeze %dma_start3A_65 : memref<1x16384xi32, #tpu.memory_space<vmem>> -> memref<16384xi32, #tpu.memory_space<vmem>>
    %dma_start3A_67 = tpu.memref_slice %arg3[%select_n3A, %add3A_34] : memref<4x262144xi32, #tpu.memory_space<hbm>> -> memref<1x16384xi32, #tpu.memory_space<hbm>>
    %dma_start3A_68 = tpu.memref_squeeze %dma_start3A_67 : memref<1x16384xi32, #tpu.memory_space<hbm>> -> memref<16384xi32, #tpu.memory_space<hbm>>
    tpu.enqueue_dma source(%dma_start3A_68 : memref<16384xi32, #tpu.memory_space<hbm>>) target(%dma_start3A_66 : memref<16384xi32, #tpu.memory_space<vmem>>) target_semaphore(%arg9 : memref<!tpu.dma_semaphore, #tpu.memory_space<semaphore_mem>>)
    %broadcast_in_dim3A = arith.constant 0.000000e+00 : f32
    %broadcast_in_dim3A_69 = vector.broadcast %broadcast_in_dim3A : f32 to vector<16xf32>
    %add3A_70 = arith.constant 16384 : i32
    %add3A_71 = arith.addi %mul3A_32, %add3A_70 : i32
    %dma_start3A_72 = arith.constant 0 : i32
    %dma_start3A_73 = arith.constant 1 : i32
    %dma_start3A_74 = arith.constant 0 : i32
    %dma_start3A_75 = tpu.memref_slice %arg5[%dma_start3A_73, %dma_start3A_74] : memref<2x16384xf32, #tpu.memory_space<vmem>> -> memref<1x16384xf32, #tpu.memory_space<vmem>>
    %dma_start3A_76 = tpu.memref_squeeze %dma_start3A_75 : memref<1x16384xf32, #tpu.memory_space<vmem>> -> memref<16384xf32, #tpu.memory_space<vmem>>
    %dma_start3A_77 = tpu.memref_slice %arg2[%select_n3A, %dma_start3A_72, %add3A_71] : memref<4x2x262144xf32, #tpu.memory_space<hbm>> -> memref<1x1x16384xf32, #tpu.memory_space<hbm>>
    %dma_start3A_78 = tpu.memref_squeeze %dma_start3A_77 : memref<1x1x16384xf32, #tpu.memory_space<hbm>> -> memref<16384xf32, #tpu.memory_space<hbm>>
    %dma_start3A_79 = arith.constant 0 : i32
    %dma_start3A_80 = tpu.memref_slice %arg5[%dma_start3A_73, %dma_start3A_79] : memref<2x16384xf32, #tpu.memory_space<vmem>> -> memref<1x16384xf32, #tpu.memory_space<vmem>>
    %dma_start3A_81 = tpu.memref_squeeze %dma_start3A_80 : memref<1x16384xf32, #tpu.memory_space<vmem>> -> memref<16384xf32, #tpu.memory_space<vmem>>
    %dma_start3A_82 = tpu.memref_slice %arg2[%select_n3A, %dma_start3A_72, %add3A_71] : memref<4x2x262144xf32, #tpu.memory_space<hbm>> -> memref<1x1x16384xf32, #tpu.memory_space<hbm>>
    %dma_start3A_83 = tpu.memref_squeeze %dma_start3A_82 : memref<1x1x16384xf32, #tpu.memory_space<hbm>> -> memref<16384xf32, #tpu.memory_space<hbm>>
    tpu.enqueue_dma source(%dma_start3A_83 : memref<16384xf32, #tpu.memory_space<hbm>>) target(%dma_start3A_81 : memref<16384xf32, #tpu.memory_space<vmem>>) target_semaphore(%arg10 : memref<!tpu.dma_semaphore, #tpu.memory_space<semaphore_mem>>)
    %dma_start3A_84 = arith.constant 1 : i32
    %dma_start3A_85 = arith.constant 1 : i32
    %dma_start3A_86 = arith.constant 0 : i32
    %dma_start3A_87 = tpu.memref_slice %arg6[%dma_start3A_85, %dma_start3A_86] : memref<2x16384xf32, #tpu.memory_space<vmem>> -> memref<1x16384xf32, #tpu.memory_space<vmem>>
    %dma_start3A_88 = tpu.memref_squeeze %dma_start3A_87 : memref<1x16384xf32, #tpu.memory_space<vmem>> -> memref<16384xf32, #tpu.memory_space<vmem>>
    %dma_start3A_89 = tpu.memref_slice %arg2[%select_n3A, %dma_start3A_84, %add3A_71] : memref<4x2x262144xf32, #tpu.memory_space<hbm>> -> memref<1x1x16384xf32, #tpu.memory_space<hbm>>
    %dma_start3A_90 = tpu.memref_squeeze %dma_start3A_89 : memref<1x1x16384xf32, #tpu.memory_space<hbm>> -> memref<16384xf32, #tpu.memory_space<hbm>>
    %dma_start3A_91 = arith.constant 0 : i32
    %dma_start3A_92 = tpu.memref_slice %arg6[%dma_start3A_85, %dma_start3A_91] : memref<2x16384xf32, #tpu.memory_space<vmem>> -> memref<1x16384xf32, #tpu.memory_space<vmem>>
    %dma_start3A_93 = tpu.memref_squeeze %dma_start3A_92 : memref<1x16384xf32, #tpu.memory_space<vmem>> -> memref<16384xf32, #tpu.memory_space<vmem>>
    %dma_start3A_94 = tpu.memref_slice %arg2[%select_n3A, %dma_start3A_84, %add3A_71] : memref<4x2x262144xf32, #tpu.memory_space<hbm>> -> memref<1x1x16384xf32, #tpu.memory_space<hbm>>
    %dma_start3A_95 = tpu.memref_squeeze %dma_start3A_94 : memref<1x1x16384xf32, #tpu.memory_space<hbm>> -> memref<16384xf32, #tpu.memory_space<hbm>>
    tpu.enqueue_dma source(%dma_start3A_95 : memref<16384xf32, #tpu.memory_space<hbm>>) target(%dma_start3A_93 : memref<16384xf32, #tpu.memory_space<vmem>>) target_semaphore(%arg10 : memref<!tpu.dma_semaphore, #tpu.memory_space<semaphore_mem>>)
    %dma_start3A_96 = arith.constant 1 : i32
    %dma_start3A_97 = arith.constant 0 : i32
    %dma_start3A_98 = tpu.memref_slice %arg7[%dma_start3A_96, %dma_start3A_97] : memref<2x16384xi32, #tpu.memory_space<vmem>> -> memref<1x16384xi32, #tpu.memory_space<vmem>>
    %dma_start3A_99 = tpu.memref_squeeze %dma_start3A_98 : memref<1x16384xi32, #tpu.memory_space<vmem>> -> memref<16384xi32, #tpu.memory_space<vmem>>
    %dma_start3A_100 = tpu.memref_slice %arg3[%select_n3A, %add3A_71] : memref<4x262144xi32, #tpu.memory_space<hbm>> -> memref<1x16384xi32, #tpu.memory_space<hbm>>
    %dma_start3A_101 = tpu.memref_squeeze %dma_start3A_100 : memref<1x16384xi32, #tpu.memory_space<hbm>> -> memref<16384xi32, #tpu.memory_space<hbm>>
    %dma_start3A_102 = arith.constant 0 : i32
    %dma_start3A_103 = tpu.memref_slice %arg7[%dma_start3A_96, %dma_start3A_102] : memref<2x16384xi32, #tpu.memory_space<vmem>> -> memref<1x16384xi32, #tpu.memory_space<vmem>>
    %dma_start3A_104 = tpu.memref_squeeze %dma_start3A_103 : memref<1x16384xi32, #tpu.memory_space<vmem>> -> memref<16384xi32, #tpu.memory_space<vmem>>
    %dma_start3A_105 = tpu.memref_slice %arg3[%select_n3A, %add3A_71] : memref<4x262144xi32, #tpu.memory_space<hbm>> -> memref<1x16384xi32, #tpu.memory_space<hbm>>
    %dma_start3A_106 = tpu.memref_squeeze %dma_start3A_105 : memref<1x16384xi32, #tpu.memory_space<hbm>> -> memref<16384xi32, #tpu.memory_space<hbm>>
    tpu.enqueue_dma source(%dma_start3A_106 : memref<16384xi32, #tpu.memory_space<hbm>>) target(%dma_start3A_104 : memref<16384xi32, #tpu.memory_space<vmem>>) target_semaphore(%arg10 : memref<!tpu.dma_semaphore, #tpu.memory_space<semaphore_mem>>)
    %dma_wait3A = arith.constant 0 : i32
    %dma_wait3A_107 = arith.constant 0 : i32
    %dma_wait3A_108 = arith.constant 0 : i32
    %dma_wait3A_109 = tpu.memref_slice %arg5[%dma_wait3A_107, %dma_wait3A_108] : memref<2x16384xf32, #tpu.memory_space<vmem>> -> memref<1x16384xf32, #tpu.memory_space<vmem>>
    %dma_wait3A_110 = tpu.memref_squeeze %dma_wait3A_109 : memref<1x16384xf32, #tpu.memory_space<vmem>> -> memref<16384xf32, #tpu.memory_space<vmem>>
    %dma_wait3A_111 = tpu.memref_slice %arg2[%select_n3A, %dma_wait3A, %add3A_34] : memref<4x2x262144xf32, #tpu.memory_space<hbm>> -> memref<1x1x16384xf32, #tpu.memory_space<hbm>>
    %dma_wait3A_112 = tpu.memref_squeeze %dma_wait3A_111 : memref<1x1x16384xf32, #tpu.memory_space<hbm>> -> memref<16384xf32, #tpu.memory_space<hbm>>
    %dma_wait3A_113 = arith.constant 0 : i32
    %dma_wait3A_114 = tpu.memref_slice %arg5[%dma_wait3A_107, %dma_wait3A_113] : memref<2x16384xf32, #tpu.memory_space<vmem>> -> memref<1x16384xf32, #tpu.memory_space<vmem>>
    %dma_wait3A_115 = tpu.memref_squeeze %dma_wait3A_114 : memref<1x16384xf32, #tpu.memory_space<vmem>> -> memref<16384xf32, #tpu.memory_space<vmem>>
    %dma_wait3A_116 = tpu.memref_slice %arg2[%select_n3A, %dma_wait3A, %add3A_34] : memref<4x2x262144xf32, #tpu.memory_space<hbm>> -> memref<1x1x16384xf32, #tpu.memory_space<hbm>>
    %dma_wait3A_117 = tpu.memref_squeeze %dma_wait3A_116 : memref<1x1x16384xf32, #tpu.memory_space<hbm>> -> memref<16384xf32, #tpu.memory_space<hbm>>
    tpu.wait_dma2 semaphore(%arg9 : memref<!tpu.dma_semaphore, #tpu.memory_space<semaphore_mem>>) src(%dma_wait3A_117 : memref<16384xf32, #tpu.memory_space<hbm>>) dst(%dma_wait3A_115 : memref<16384xf32, #tpu.memory_space<vmem>>)
    %dma_wait3A_118 = arith.constant 1 : i32
    %dma_wait3A_119 = arith.constant 0 : i32
    %dma_wait3A_120 = arith.constant 0 : i32
    %dma_wait3A_121 = tpu.memref_slice %arg6[%dma_wait3A_119, %dma_wait3A_120] : memref<2x16384xf32, #tpu.memory_space<vmem>> -> memref<1x16384xf32, #tpu.memory_space<vmem>>
    %dma_wait3A_122 = tpu.memref_squeeze %dma_wait3A_121 : memref<1x16384xf32, #tpu.memory_space<vmem>> -> memref<16384xf32, #tpu.memory_space<vmem>>
    %dma_wait3A_123 = tpu.memref_slice %arg2[%select_n3A, %dma_wait3A_118, %add3A_34] : memref<4x2x262144xf32, #tpu.memory_space<hbm>> -> memref<1x1x16384xf32, #tpu.memory_space<hbm>>
    %dma_wait3A_124 = tpu.memref_squeeze %dma_wait3A_123 : memref<1x1x16384xf32, #tpu.memory_space<hbm>> -> memref<16384xf32, #tpu.memory_space<hbm>>
    %dma_wait3A_125 = arith.constant 0 : i32
    %dma_wait3A_126 = tpu.memref_slice %arg6[%dma_wait3A_119, %dma_wait3A_125] : memref<2x16384xf32, #tpu.memory_space<vmem>> -> memref<1x16384xf32, #tpu.memory_space<vmem>>
    %dma_wait3A_127 = tpu.memref_squeeze %dma_wait3A_126 : memref<1x16384xf32, #tpu.memory_space<vmem>> -> memref<16384xf32, #tpu.memory_space<vmem>>
    %dma_wait3A_128 = tpu.memref_slice %arg2[%select_n3A, %dma_wait3A_118, %add3A_34] : memref<4x2x262144xf32, #tpu.memory_space<hbm>> -> memref<1x1x16384xf32, #tpu.memory_space<hbm>>
    %dma_wait3A_129 = tpu.memref_squeeze %dma_wait3A_128 : memref<1x1x16384xf32, #tpu.memory_space<hbm>> -> memref<16384xf32, #tpu.memory_space<hbm>>
    tpu.wait_dma2 semaphore(%arg9 : memref<!tpu.dma_semaphore, #tpu.memory_space<semaphore_mem>>) src(%dma_wait3A_129 : memref<16384xf32, #tpu.memory_space<hbm>>) dst(%dma_wait3A_127 : memref<16384xf32, #tpu.memory_space<vmem>>)
    %dma_wait3A_130 = arith.constant 0 : i32
    %dma_wait3A_131 = arith.constant 0 : i32
    %dma_wait3A_132 = tpu.memref_slice %arg7[%dma_wait3A_130, %dma_wait3A_131] : memref<2x16384xi32, #tpu.memory_space<vmem>> -> memref<1x16384xi32, #tpu.memory_space<vmem>>
    %dma_wait3A_133 = tpu.memref_squeeze %dma_wait3A_132 : memref<1x16384xi32, #tpu.memory_space<vmem>> -> memref<16384xi32, #tpu.memory_space<vmem>>
    %dma_wait3A_134 = tpu.memref_slice %arg3[%select_n3A, %add3A_34] : memref<4x262144xi32, #tpu.memory_space<hbm>> -> memref<1x16384xi32, #tpu.memory_space<hbm>>
    %dma_wait3A_135 = tpu.memref_squeeze %dma_wait3A_134 : memref<1x16384xi32, #tpu.memory_space<hbm>> -> memref<16384xi32, #tpu.memory_space<hbm>>
    %dma_wait3A_136 = arith.constant 0 : i32
    %dma_wait3A_137 = tpu.memref_slice %arg7[%dma_wait3A_130, %dma_wait3A_136] : memref<2x16384xi32, #tpu.memory_space<vmem>> -> memref<1x16384xi32, #tpu.memory_space<vmem>>
    %dma_wait3A_138 = tpu.memref_squeeze %dma_wait3A_137 : memref<1x16384xi32, #tpu.memory_space<vmem>> -> memref<16384xi32, #tpu.memory_space<vmem>>
    %dma_wait3A_139 = tpu.memref_slice %arg3[%select_n3A, %add3A_34] : memref<4x262144xi32, #tpu.memory_space<hbm>> -> memref<1x16384xi32, #tpu.memory_space<hbm>>
    %dma_wait3A_140 = tpu.memref_squeeze %dma_wait3A_139 : memref<1x16384xi32, #tpu.memory_space<hbm>> -> memref<16384xi32, #tpu.memory_space<hbm>>
    tpu.wait_dma2 semaphore(%arg9 : memref<!tpu.dma_semaphore, #tpu.memory_space<semaphore_mem>>) src(%dma_wait3A_140 : memref<16384xi32, #tpu.memory_space<hbm>>) dst(%dma_wait3A_138 : memref<16384xi32, #tpu.memory_space<vmem>>)
    %scan3A = arith.constant 0 : i32
    %scan3A_141 = arith.constant 1024 : i32
    %scan3A_142 = arith.addi %scan3A, %scan3A_141 : i32
    %scan3A_143 = arith.constant 4 : i32
    %scan3A_144 = scf.for %scan3A_188 = %scan3A to %scan3A_142 step %scan3A_143 iter_args(%scan3A_189 = %broadcast_in_dim3A_69) -> (vector<16xf32>)  : i32 {
      %mul3A_190 = arith.constant 16 : i32
      %mul3A_191 = arith.muli %scan3A_188, %mul3A_190 : i32
      %get3A = arith.constant 0 : i32
      %get3A_192 = arith.index_cast %get3A : i32 to index
      %get3A_193 = arith.index_cast %mul3A_191 : i32 to index
      %get3A_194 = tpu.vector_load %arg5[%get3A_192, %get3A_193] {strides = array<i32>} : memref<2x16384xf32, #tpu.memory_space<vmem>>, vector<16xf32>,
      %get3A_195 = arith.constant 0 : i32
      %get3A_196 = arith.index_cast %get3A_195 : i32 to index
      %get3A_197 = arith.index_cast %mul3A_191 : i32 to index
      %get3A_198 = tpu.vector_load %arg6[%get3A_196, %get3A_197] {strides = array<i32>} : memref<2x16384xf32, #tpu.memory_space<vmem>>, vector<16xf32>,
      %get3A_199 = arith.constant 0 : i32
      %get3A_200 = arith.index_cast %get3A_199 : i32 to index
      %get3A_201 = arith.index_cast %mul3A_191 : i32 to index
      %get3A_202 = tpu.vector_load %arg7[%get3A_200, %get3A_201] {strides = array<i32>} : memref<2x16384xi32, #tpu.memory_space<vmem>>, vector<16xi32>,
      %eq3A_203 = arith.constant 0 : i32
      %eq3A_204 = vector.broadcast %eq3A_203 : i32 to vector<16xi32>
      %eq3A_205 = arith.cmpi eq, %get3A_202, %eq3A_204 : vector<16xi32>
      %select_n3A_206 = arith.select %eq3A_205, %get3A_194, %get3A_198 : vector<16xi1>, vector<16xf32>
      %bitcast3A = vector.bitcast %select_n3A_206 : vector<16xf32> to vector<16xi32>
      %shift_right_arithmetic3A = arith.constant 23 : i32
      %shift_right_arithmetic3A_207 = vector.broadcast %shift_right_arithmetic3A : i32 to vector<16xi32>
      %shift_right_arithmetic3A_208 = arith.shrsi %bitcast3A, %shift_right_arithmetic3A_207 : vector<16xi32>
      %convert_element_type3A = arith.sitofp %shift_right_arithmetic3A_208 : vector<16xi32> to vector<16xf32>
      %and3A_209 = arith.constant 8388607 : i32
      %and3A_210 = vector.broadcast %and3A_209 : i32 to vector<16xi32>
      %and3A_211 = arith.andi %bitcast3A, %and3A_210 : vector<16xi32>
      %or3A = arith.constant 1065353216 : i32
      %or3A_212 = vector.broadcast %or3A : i32 to vector<16xi32>
      %or3A_213 = arith.ori %and3A_211, %or3A_212 : vector<16xi32>
      %bitcast3A_214 = vector.bitcast %or3A_213 : vector<16xi32> to vector<16xf32>
      %sub3A_215 = arith.constant 1.000000e+00 : f32
      %sub3A_216 = vector.broadcast %sub3A_215 : f32 to vector<16xf32>
      %sub3A_217 = arith.subf %bitcast3A_214, %sub3A_216 : vector<16xf32>
      %mul3A_218 = arith.constant 0.0304490048 : f32
      %mul3A_219 = vector.broadcast %mul3A_218 : f32 to vector<16xf32>
      %mul3A_220 = arith.mulf %mul3A_219, %sub3A_217 : vector<16xf32>
      %add3A_221 = arith.constant -0.131581828 : f32
      %add3A_222 = vector.broadcast %add3A_221 : f32 to vector<16xf32>
      %add3A_223 = arith.addf %mul3A_220, %add3A_222 : vector<16xf32>
      %mul3A_224 = arith.mulf %add3A_223, %sub3A_217 : vector<16xf32>
      %add3A_225 = arith.constant 0.285272688 : f32
      %add3A_226 = vector.broadcast %add3A_225 : f32 to vector<16xf32>
      %add3A_227 = arith.addf %mul3A_224, %add3A_226 : vector<16xf32>
      %mul3A_228 = arith.mulf %add3A_227, %sub3A_217 : vector<16xf32>
      %add3A_229 = arith.constant -0.490230709 : f32
      %add3A_230 = vector.broadcast %add3A_229 : f32 to vector<16xf32>
      %add3A_231 = arith.addf %mul3A_228, %add3A_230 : vector<16xf32>
      %mul3A_232 = arith.mulf %add3A_231, %sub3A_217 : vector<16xf32>
      %add3A_233 = arith.constant 0.99923551 : f32
      %add3A_234 = vector.broadcast %add3A_233 : f32 to vector<16xf32>
      %add3A_235 = arith.addf %mul3A_232, %add3A_234 : vector<16xf32>
      %mul3A_236 = arith.mulf %add3A_235, %sub3A_217 : vector<16xf32>
      %add3A_237 = arith.constant -88.0296783 : f32
      %add3A_238 = vector.broadcast %add3A_237 : f32 to vector<16xf32>
      %add3A_239 = arith.addf %mul3A_236, %add3A_238 : vector<16xf32>
      %mul3A_240 = arith.constant 0.693147182 : f32
      %mul3A_241 = vector.broadcast %mul3A_240 : f32 to vector<16xf32>
      %mul3A_242 = arith.mulf %convert_element_type3A, %mul3A_241 : vector<16xf32>
      %add3A_243 = arith.addf %add3A_239, %mul3A_242 : vector<16xf32>
      %sub3A_244 = arith.constant 1.000000e+00 : f32
      %sub3A_245 = vector.broadcast %sub3A_244 : f32 to vector<16xf32>
      %sub3A_246 = arith.subf %sub3A_245, %select_n3A_206 : vector<16xf32>
      %mul3A_247 = arith.mulf %sub3A_246, %sub3A_246 : vector<16xf32>
      %mul3A_248 = arith.mulf %mul3A_247, %add3A_243 : vector<16xf32>
      %add3A_249 = arith.addf %scan3A_189, %mul3A_248 : vector<16xf32>
      %scan3A_250 = arith.constant 1 : i32
      %scan3A_251 = arith.addi %scan3A_188, %scan3A_250 : i32
      %mul3A_252 = arith.constant 16 : i32
      %mul3A_253 = arith.muli %scan3A_251, %mul3A_252 : i32
      %get3A_254 = arith.constant 0 : i32
      %get3A_255 = arith.index_cast %get3A_254 : i32 to index
      %get3A_256 = arith.index_cast %mul3A_253 : i32 to index
      %get3A_257 = tpu.vector_load %arg5[%get3A_255, %get3A_256] {strides = array<i32>} : memref<2x16384xf32, #tpu.memory_space<vmem>>, vector<16xf32>,
      %get3A_258 = arith.constant 0 : i32
      %get3A_259 = arith.index_cast %get3A_258 : i32 to index
      %get3A_260 = arith.index_cast %mul3A_253 : i32 to index
      %get3A_261 = tpu.vector_load %arg6[%get3A_259, %get3A_260] {strides = array<i32>} : memref<2x16384xf32, #tpu.memory_space<vmem>>, vector<16xf32>,
      %get3A_262 = arith.constant 0 : i32
      %get3A_263 = arith.index_cast %get3A_262 : i32 to index
      %get3A_264 = arith.index_cast %mul3A_253 : i32 to index
      %get3A_265 = tpu.vector_load %arg7[%get3A_263, %get3A_264] {strides = array<i32>} : memref<2x16384xi32, #tpu.memory_space<vmem>>, vector<16xi32>,
      %eq3A_266 = arith.constant 0 : i32
      %eq3A_267 = vector.broadcast %eq3A_266 : i32 to vector<16xi32>
      %eq3A_268 = arith.cmpi eq, %get3A_265, %eq3A_267 : vector<16xi32>
      %select_n3A_269 = arith.select %eq3A_268, %get3A_257, %get3A_261 : vector<16xi1>, vector<16xf32>
      %bitcast3A_270 = vector.bitcast %select_n3A_269 : vector<16xf32> to vector<16xi32>
      %shift_right_arithmetic3A_271 = arith.constant 23 : i32
      %shift_right_arithmetic3A_272 = vector.broadcast %shift_right_arithmetic3A_271 : i32 to vector<16xi32>
      %shift_right_arithmetic3A_273 = arith.shrsi %bitcast3A_270, %shift_right_arithmetic3A_272 : vector<16xi32>
      %convert_element_type3A_274 = arith.sitofp %shift_right_arithmetic3A_273 : vector<16xi32> to vector<16xf32>
      %and3A_275 = arith.constant 8388607 : i32
      %and3A_276 = vector.broadcast %and3A_275 : i32 to vector<16xi32>
      %and3A_277 = arith.andi %bitcast3A_270, %and3A_276 : vector<16xi32>
      %or3A_278 = arith.constant 1065353216 : i32
      %or3A_279 = vector.broadcast %or3A_278 : i32 to vector<16xi32>
      %or3A_280 = arith.ori %and3A_277, %or3A_279 : vector<16xi32>
      %bitcast3A_281 = vector.bitcast %or3A_280 : vector<16xi32> to vector<16xf32>
      %sub3A_282 = arith.constant 1.000000e+00 : f32
      %sub3A_283 = vector.broadcast %sub3A_282 : f32 to vector<16xf32>
      %sub3A_284 = arith.subf %bitcast3A_281, %sub3A_283 : vector<16xf32>
      %mul3A_285 = arith.constant 0.0304490048 : f32
      %mul3A_286 = vector.broadcast %mul3A_285 : f32 to vector<16xf32>
      %mul3A_287 = arith.mulf %mul3A_286, %sub3A_284 : vector<16xf32>
      %add3A_288 = arith.constant -0.131581828 : f32
      %add3A_289 = vector.broadcast %add3A_288 : f32 to vector<16xf32>
      %add3A_290 = arith.addf %mul3A_287, %add3A_289 : vector<16xf32>
      %mul3A_291 = arith.mulf %add3A_290, %sub3A_284 : vector<16xf32>
      %add3A_292 = arith.constant 0.285272688 : f32
      %add3A_293 = vector.broadcast %add3A_292 : f32 to vector<16xf32>
      %add3A_294 = arith.addf %mul3A_291, %add3A_293 : vector<16xf32>
      %mul3A_295 = arith.mulf %add3A_294, %sub3A_284 : vector<16xf32>
      %add3A_296 = arith.constant -0.490230709 : f32
      %add3A_297 = vector.broadcast %add3A_296 : f32 to vector<16xf32>
      %add3A_298 = arith.addf %mul3A_295, %add3A_297 : vector<16xf32>
      %mul3A_299 = arith.mulf %add3A_298, %sub3A_284 : vector<16xf32>
      %add3A_300 = arith.constant 0.99923551 : f32
      %add3A_301 = vector.broadcast %add3A_300 : f32 to vector<16xf32>
      %add3A_302 = arith.addf %mul3A_299, %add3A_301 : vector<16xf32>
      %mul3A_303 = arith.mulf %add3A_302, %sub3A_284 : vector<16xf32>
      %add3A_304 = arith.constant -88.0296783 : f32
      %add3A_305 = vector.broadcast %add3A_304 : f32 to vector<16xf32>
      %add3A_306 = arith.addf %mul3A_303, %add3A_305 : vector<16xf32>
      %mul3A_307 = arith.constant 0.693147182 : f32
      %mul3A_308 = vector.broadcast %mul3A_307 : f32 to vector<16xf32>
      %mul3A_309 = arith.mulf %convert_element_type3A_274, %mul3A_308 : vector<16xf32>
      %add3A_310 = arith.addf %add3A_306, %mul3A_309 : vector<16xf32>
      %sub3A_311 = arith.constant 1.000000e+00 : f32
      %sub3A_312 = vector.broadcast %sub3A_311 : f32 to vector<16xf32>
      %sub3A_313 = arith.subf %sub3A_312, %select_n3A_269 : vector<16xf32>
      %mul3A_314 = arith.mulf %sub3A_313, %sub3A_313 : vector<16xf32>
      %mul3A_315 = arith.mulf %mul3A_314, %add3A_310 : vector<16xf32>
      %add3A_316 = arith.addf %add3A_249, %mul3A_315 : vector<16xf32>
      %scan3A_317 = arith.constant 2 : i32
      %scan3A_318 = arith.addi %scan3A_188, %scan3A_317 : i32
      %mul3A_319 = arith.constant 16 : i32
      %mul3A_320 = arith.muli %scan3A_318, %mul3A_319 : i32
      %get3A_321 = arith.constant 0 : i32
      %get3A_322 = arith.index_cast %get3A_321 : i32 to index
      %get3A_323 = arith.index_cast %mul3A_320 : i32 to index
      %get3A_324 = tpu.vector_load %arg5[%get3A_322, %get3A_323] {strides = array<i32>} : memref<2x16384xf32, #tpu.memory_space<vmem>>, vector<16xf32>,
      %get3A_325 = arith.constant 0 : i32
      %get3A_326 = arith.index_cast %get3A_325 : i32 to index
      %get3A_327 = arith.index_cast %mul3A_320 : i32 to index
      %get3A_328 = tpu.vector_load %arg6[%get3A_326, %get3A_327] {strides = array<i32>} : memref<2x16384xf32, #tpu.memory_space<vmem>>, vector<16xf32>,
      %get3A_329 = arith.constant 0 : i32
      %get3A_330 = arith.index_cast %get3A_329 : i32 to index
      %get3A_331 = arith.index_cast %mul3A_320 : i32 to index
      %get3A_332 = tpu.vector_load %arg7[%get3A_330, %get3A_331] {strides = array<i32>} : memref<2x16384xi32, #tpu.memory_space<vmem>>, vector<16xi32>,
      %eq3A_333 = arith.constant 0 : i32
      %eq3A_334 = vector.broadcast %eq3A_333 : i32 to vector<16xi32>
      %eq3A_335 = arith.cmpi eq, %get3A_332, %eq3A_334 : vector<16xi32>
      %select_n3A_336 = arith.select %eq3A_335, %get3A_324, %get3A_328 : vector<16xi1>, vector<16xf32>
      %bitcast3A_337 = vector.bitcast %select_n3A_336 : vector<16xf32> to vector<16xi32>
      %shift_right_arithmetic3A_338 = arith.constant 23 : i32
      %shift_right_arithmetic3A_339 = vector.broadcast %shift_right_arithmetic3A_338 : i32 to vector<16xi32>
      %shift_right_arithmetic3A_340 = arith.shrsi %bitcast3A_337, %shift_right_arithmetic3A_339 : vector<16xi32>
      %convert_element_type3A_341 = arith.sitofp %shift_right_arithmetic3A_340 : vector<16xi32> to vector<16xf32>
      %and3A_342 = arith.constant 8388607 : i32
      %and3A_343 = vector.broadcast %and3A_342 : i32 to vector<16xi32>
      %and3A_344 = arith.andi %bitcast3A_337, %and3A_343 : vector<16xi32>
      %or3A_345 = arith.constant 1065353216 : i32
      %or3A_346 = vector.broadcast %or3A_345 : i32 to vector<16xi32>
      %or3A_347 = arith.ori %and3A_344, %or3A_346 : vector<16xi32>
      %bitcast3A_348 = vector.bitcast %or3A_347 : vector<16xi32> to vector<16xf32>
      %sub3A_349 = arith.constant 1.000000e+00 : f32
      %sub3A_350 = vector.broadcast %sub3A_349 : f32 to vector<16xf32>
      %sub3A_351 = arith.subf %bitcast3A_348, %sub3A_350 : vector<16xf32>
      %mul3A_352 = arith.constant 0.0304490048 : f32
      %mul3A_353 = vector.broadcast %mul3A_352 : f32 to vector<16xf32>
      %mul3A_354 = arith.mulf %mul3A_353, %sub3A_351 : vector<16xf32>
      %add3A_355 = arith.constant -0.131581828 : f32
      %add3A_356 = vector.broadcast %add3A_355 : f32 to vector<16xf32>
      %add3A_357 = arith.addf %mul3A_354, %add3A_356 : vector<16xf32>
      %mul3A_358 = arith.mulf %add3A_357, %sub3A_351 : vector<16xf32>
      %add3A_359 = arith.constant 0.285272688 : f32
      %add3A_360 = vector.broadcast %add3A_359 : f32 to vector<16xf32>
      %add3A_361 = arith.addf %mul3A_358, %add3A_360 : vector<16xf32>
      %mul3A_362 = arith.mulf %add3A_361, %sub3A_351 : vector<16xf32>
      %add3A_363 = arith.constant -0.490230709 : f32
      %add3A_364 = vector.broadcast %add3A_363 : f32 to vector<16xf32>
      %add3A_365 = arith.addf %mul3A_362, %add3A_364 : vector<16xf32>
      %mul3A_366 = arith.mulf %add3A_365, %sub3A_351 : vector<16xf32>
      %add3A_367 = arith.constant 0.99923551 : f32
      %add3A_368 = vector.broadcast %add3A_367 : f32 to vector<16xf32>
      %add3A_369 = arith.addf %mul3A_366, %add3A_368 : vector<16xf32>
      %mul3A_370 = arith.mulf %add3A_369, %sub3A_351 : vector<16xf32>
      %add3A_371 = arith.constant -88.0296783 : f32
      %add3A_372 = vector.broadcast %add3A_371 : f32 to vector<16xf32>
      %add3A_373 = arith.addf %mul3A_370, %add3A_372 : vector<16xf32>
      %mul3A_374 = arith.constant 0.693147182 : f32
      %mul3A_375 = vector.broadcast %mul3A_374 : f32 to vector<16xf32>
      %mul3A_376 = arith.mulf %convert_element_type3A_341, %mul3A_375 : vector<16xf32>
      %add3A_377 = arith.addf %add3A_373, %mul3A_376 : vector<16xf32>
      %sub3A_378 = arith.constant 1.000000e+00 : f32
      %sub3A_379 = vector.broadcast %sub3A_378 : f32 to vector<16xf32>
      %sub3A_380 = arith.subf %sub3A_379, %select_n3A_336 : vector<16xf32>
      %mul3A_381 = arith.mulf %sub3A_380, %sub3A_380 : vector<16xf32>
      %mul3A_382 = arith.mulf %mul3A_381, %add3A_377 : vector<16xf32>
      %add3A_383 = arith.addf %add3A_316, %mul3A_382 : vector<16xf32>
      %scan3A_384 = arith.constant 3 : i32
      %scan3A_385 = arith.addi %scan3A_188, %scan3A_384 : i32
      %mul3A_386 = arith.constant 16 : i32
      %mul3A_387 = arith.muli %scan3A_385, %mul3A_386 : i32
      %get3A_388 = arith.constant 0 : i32
      %get3A_389 = arith.index_cast %get3A_388 : i32 to index
      %get3A_390 = arith.index_cast %mul3A_387 : i32 to index
      %get3A_391 = tpu.vector_load %arg5[%get3A_389, %get3A_390] {strides = array<i32>} : memref<2x16384xf32, #tpu.memory_space<vmem>>, vector<16xf32>,
      %get3A_392 = arith.constant 0 : i32
      %get3A_393 = arith.index_cast %get3A_392 : i32 to index
      %get3A_394 = arith.index_cast %mul3A_387 : i32 to index
      %get3A_395 = tpu.vector_load %arg6[%get3A_393, %get3A_394] {strides = array<i32>} : memref<2x16384xf32, #tpu.memory_space<vmem>>, vector<16xf32>,
      %get3A_396 = arith.constant 0 : i32
      %get3A_397 = arith.index_cast %get3A_396 : i32 to index
      %get3A_398 = arith.index_cast %mul3A_387 : i32 to index
      %get3A_399 = tpu.vector_load %arg7[%get3A_397, %get3A_398] {strides = array<i32>} : memref<2x16384xi32, #tpu.memory_space<vmem>>, vector<16xi32>,
      %eq3A_400 = arith.constant 0 : i32
      %eq3A_401 = vector.broadcast %eq3A_400 : i32 to vector<16xi32>
      %eq3A_402 = arith.cmpi eq, %get3A_399, %eq3A_401 : vector<16xi32>
      %select_n3A_403 = arith.select %eq3A_402, %get3A_391, %get3A_395 : vector<16xi1>, vector<16xf32>
      %bitcast3A_404 = vector.bitcast %select_n3A_403 : vector<16xf32> to vector<16xi32>
      %shift_right_arithmetic3A_405 = arith.constant 23 : i32
      %shift_right_arithmetic3A_406 = vector.broadcast %shift_right_arithmetic3A_405 : i32 to vector<16xi32>
      %shift_right_arithmetic3A_407 = arith.shrsi %bitcast3A_404, %shift_right_arithmetic3A_406 : vector<16xi32>
      %convert_element_type3A_408 = arith.sitofp %shift_right_arithmetic3A_407 : vector<16xi32> to vector<16xf32>
      %and3A_409 = arith.constant 8388607 : i32
      %and3A_410 = vector.broadcast %and3A_409 : i32 to vector<16xi32>
      %and3A_411 = arith.andi %bitcast3A_404, %and3A_410 : vector<16xi32>
      %or3A_412 = arith.constant 1065353216 : i32
      %or3A_413 = vector.broadcast %or3A_412 : i32 to vector<16xi32>
      %or3A_414 = arith.ori %and3A_411, %or3A_413 : vector<16xi32>
      %bitcast3A_415 = vector.bitcast %or3A_414 : vector<16xi32> to vector<16xf32>
      %sub3A_416 = arith.constant 1.000000e+00 : f32
      %sub3A_417 = vector.broadcast %sub3A_416 : f32 to vector<16xf32>
      %sub3A_418 = arith.subf %bitcast3A_415, %sub3A_417 : vector<16xf32>
      %mul3A_419 = arith.constant 0.0304490048 : f32
      %mul3A_420 = vector.broadcast %mul3A_419 : f32 to vector<16xf32>
      %mul3A_421 = arith.mulf %mul3A_420, %sub3A_418 : vector<16xf32>
      %add3A_422 = arith.constant -0.131581828 : f32
      %add3A_423 = vector.broadcast %add3A_422 : f32 to vector<16xf32>
      %add3A_424 = arith.addf %mul3A_421, %add3A_423 : vector<16xf32>
      %mul3A_425 = arith.mulf %add3A_424, %sub3A_418 : vector<16xf32>
      %add3A_426 = arith.constant 0.285272688 : f32
      %add3A_427 = vector.broadcast %add3A_426 : f32 to vector<16xf32>
      %add3A_428 = arith.addf %mul3A_425, %add3A_427 : vector<16xf32>
      %mul3A_429 = arith.mulf %add3A_428, %sub3A_418 : vector<16xf32>
      %add3A_430 = arith.constant -0.490230709 : f32
      %add3A_431 = vector.broadcast %add3A_430 : f32 to vector<16xf32>
      %add3A_432 = arith.addf %mul3A_429, %add3A_431 : vector<16xf32>
      %mul3A_433 = arith.mulf %add3A_432, %sub3A_418 : vector<16xf32>
      %add3A_434 = arith.constant 0.99923551 : f32
      %add3A_435 = vector.broadcast %add3A_434 : f32 to vector<16xf32>
      %add3A_436 = arith.addf %mul3A_433, %add3A_435 : vector<16xf32>
      %mul3A_437 = arith.mulf %add3A_436, %sub3A_418 : vector<16xf32>
      %add3A_438 = arith.constant -88.0296783 : f32
      %add3A_439 = vector.broadcast %add3A_438 : f32 to vector<16xf32>
      %add3A_440 = arith.addf %mul3A_437, %add3A_439 : vector<16xf32>
      %mul3A_441 = arith.constant 0.693147182 : f32
      %mul3A_442 = vector.broadcast %mul3A_441 : f32 to vector<16xf32>
      %mul3A_443 = arith.mulf %convert_element_type3A_408, %mul3A_442 : vector<16xf32>
      %add3A_444 = arith.addf %add3A_440, %mul3A_443 : vector<16xf32>
      %sub3A_445 = arith.constant 1.000000e+00 : f32
      %sub3A_446 = vector.broadcast %sub3A_445 : f32 to vector<16xf32>
      %sub3A_447 = arith.subf %sub3A_446, %select_n3A_403 : vector<16xf32>
      %mul3A_448 = arith.mulf %sub3A_447, %sub3A_447 : vector<16xf32>
      %mul3A_449 = arith.mulf %mul3A_448, %add3A_444 : vector<16xf32>
      %add3A_450 = arith.addf %add3A_383, %mul3A_449 : vector<16xf32>
      scf.yield %add3A_450 : vector<16xf32>
    }
    %scan3A_145 = arith.constant 1024 : i32
    %dma_wait3A_146 = arith.constant 0 : i32
    %dma_wait3A_147 = arith.constant 1 : i32
    %dma_wait3A_148 = arith.constant 0 : i32
    %dma_wait3A_149 = tpu.memref_slice %arg5[%dma_wait3A_147, %dma_wait3A_148] : memref<2x16384xf32, #tpu.memory_space<vmem>> -> memref<1x16384xf32, #tpu.memory_space<vmem>>
    %dma_wait3A_150 = tpu.memref_squeeze %dma_wait3A_149 : memref<1x16384xf32, #tpu.memory_space<vmem>> -> memref<16384xf32, #tpu.memory_space<vmem>>
    %dma_wait3A_151 = tpu.memref_slice %arg2[%select_n3A, %dma_wait3A_146, %add3A_71] : memref<4x2x262144xf32, #tpu.memory_space<hbm>> -> memref<1x1x16384xf32, #tpu.memory_space<hbm>>
    %dma_wait3A_152 = tpu.memref_squeeze %dma_wait3A_151 : memref<1x1x16384xf32, #tpu.memory_space<hbm>> -> memref<16384xf32, #tpu.memory_space<hbm>>
    %dma_wait3A_153 = arith.constant 0 : i32
    %dma_wait3A_154 = tpu.memref_slice %arg5[%dma_wait3A_147, %dma_wait3A_153] : memref<2x16384xf32, #tpu.memory_space<vmem>> -> memref<1x16384xf32, #tpu.memory_space<vmem>>
    %dma_wait3A_155 = tpu.memref_squeeze %dma_wait3A_154 : memref<1x16384xf32, #tpu.memory_space<vmem>> -> memref<16384xf32, #tpu.memory_space<vmem>>
    %dma_wait3A_156 = tpu.memref_slice %arg2[%select_n3A, %dma_wait3A_146, %add3A_71] : memref<4x2x262144xf32, #tpu.memory_space<hbm>> -> memref<1x1x16384xf32, #tpu.memory_space<hbm>>
    %dma_wait3A_157 = tpu.memref_squeeze %dma_wait3A_156 : memref<1x1x16384xf32, #tpu.memory_space<hbm>> -> memref<16384xf32, #tpu.memory_space<hbm>>
    tpu.wait_dma2 semaphore(%arg10 : memref<!tpu.dma_semaphore, #tpu.memory_space<semaphore_mem>>) src(%dma_wait3A_157 : memref<16384xf32, #tpu.memory_space<hbm>>) dst(%dma_wait3A_155 : memref<16384xf32, #tpu.memory_space<vmem>>)
    %dma_wait3A_158 = arith.constant 1 : i32
    %dma_wait3A_159 = arith.constant 1 : i32
    %dma_wait3A_160 = arith.constant 0 : i32
    %dma_wait3A_161 = tpu.memref_slice %arg6[%dma_wait3A_159, %dma_wait3A_160] : memref<2x16384xf32, #tpu.memory_space<vmem>> -> memref<1x16384xf32, #tpu.memory_space<vmem>>
    %dma_wait3A_162 = tpu.memref_squeeze %dma_wait3A_161 : memref<1x16384xf32, #tpu.memory_space<vmem>> -> memref<16384xf32, #tpu.memory_space<vmem>>
    %dma_wait3A_163 = tpu.memref_slice %arg2[%select_n3A, %dma_wait3A_158, %add3A_71] : memref<4x2x262144xf32, #tpu.memory_space<hbm>> -> memref<1x1x16384xf32, #tpu.memory_space<hbm>>
    %dma_wait3A_164 = tpu.memref_squeeze %dma_wait3A_163 : memref<1x1x16384xf32, #tpu.memory_space<hbm>> -> memref<16384xf32, #tpu.memory_space<hbm>>
    %dma_wait3A_165 = arith.constant 0 : i32
    %dma_wait3A_166 = tpu.memref_slice %arg6[%dma_wait3A_159, %dma_wait3A_165] : memref<2x16384xf32, #tpu.memory_space<vmem>> -> memref<1x16384xf32, #tpu.memory_space<vmem>>
    %dma_wait3A_167 = tpu.memref_squeeze %dma_wait3A_166 : memref<1x16384xf32, #tpu.memory_space<vmem>> -> memref<16384xf32, #tpu.memory_space<vmem>>
    %dma_wait3A_168 = tpu.memref_slice %arg2[%select_n3A, %dma_wait3A_158, %add3A_71] : memref<4x2x262144xf32, #tpu.memory_space<hbm>> -> memref<1x1x16384xf32, #tpu.memory_space<hbm>>
    %dma_wait3A_169 = tpu.memref_squeeze %dma_wait3A_168 : memref<1x1x16384xf32, #tpu.memory_space<hbm>> -> memref<16384xf32, #tpu.memory_space<hbm>>
    tpu.wait_dma2 semaphore(%arg10 : memref<!tpu.dma_semaphore, #tpu.memory_space<semaphore_mem>>) src(%dma_wait3A_169 : memref<16384xf32, #tpu.memory_space<hbm>>) dst(%dma_wait3A_167 : memref<16384xf32, #tpu.memory_space<vmem>>)
    %dma_wait3A_170 = arith.constant 1 : i32
    %dma_wait3A_171 = arith.constant 0 : i32
    %dma_wait3A_172 = tpu.memref_slice %arg7[%dma_wait3A_170, %dma_wait3A_171] : memref<2x16384xi32, #tpu.memory_space<vmem>> -> memref<1x16384xi32, #tpu.memory_space<vmem>>
    %dma_wait3A_173 = tpu.memref_squeeze %dma_wait3A_172 : memref<1x16384xi32, #tpu.memory_space<vmem>> -> memref<16384xi32, #tpu.memory_space<vmem>>
    %dma_wait3A_174 = tpu.memref_slice %arg3[%select_n3A, %add3A_71] : memref<4x262144xi32, #tpu.memory_space<hbm>> -> memref<1x16384xi32, #tpu.memory_space<hbm>>
    %dma_wait3A_175 = tpu.memref_squeeze %dma_wait3A_174 : memref<1x16384xi32, #tpu.memory_space<hbm>> -> memref<16384xi32, #tpu.memory_space<hbm>>
    %dma_wait3A_176 = arith.constant 0 : i32
    %dma_wait3A_177 = tpu.memref_slice %arg7[%dma_wait3A_170, %dma_wait3A_176] : memref<2x16384xi32, #tpu.memory_space<vmem>> -> memref<1x16384xi32, #tpu.memory_space<vmem>>
    %dma_wait3A_178 = tpu.memref_squeeze %dma_wait3A_177 : memref<1x16384xi32, #tpu.memory_space<vmem>> -> memref<16384xi32, #tpu.memory_space<vmem>>
    %dma_wait3A_179 = tpu.memref_slice %arg3[%select_n3A, %add3A_71] : memref<4x262144xi32, #tpu.memory_space<hbm>> -> memref<1x16384xi32, #tpu.memory_space<hbm>>
    %dma_wait3A_180 = tpu.memref_squeeze %dma_wait3A_179 : memref<1x16384xi32, #tpu.memory_space<hbm>> -> memref<16384xi32, #tpu.memory_space<hbm>>
    tpu.wait_dma2 semaphore(%arg10 : memref<!tpu.dma_semaphore, #tpu.memory_space<semaphore_mem>>) src(%dma_wait3A_180 : memref<16384xi32, #tpu.memory_space<hbm>>) dst(%dma_wait3A_178 : memref<16384xi32, #tpu.memory_space<vmem>>)
    %scan3A_181 = arith.constant 0 : i32
    %scan3A_182 = arith.constant 1024 : i32
    %scan3A_183 = arith.addi %scan3A_181, %scan3A_182 : i32
    %scan3A_184 = arith.constant 4 : i32
    %scan3A_185 = scf.for %scan3A_188 = %scan3A_181 to %scan3A_183 step %scan3A_184 iter_args(%scan3A_189 = %scan3A_144) -> (vector<16xf32>)  : i32 {
      %mul3A_190 = arith.constant 16 : i32
      %mul3A_191 = arith.muli %scan3A_188, %mul3A_190 : i32
      %get3A = arith.constant 1 : i32
      %get3A_192 = arith.index_cast %get3A : i32 to index
      %get3A_193 = arith.index_cast %mul3A_191 : i32 to index
      %get3A_194 = tpu.vector_load %arg5[%get3A_192, %get3A_193] {strides = array<i32>} : memref<2x16384xf32, #tpu.memory_space<vmem>>, vector<16xf32>,
      %get3A_195 = arith.constant 1 : i32
      %get3A_196 = arith.index_cast %get3A_195 : i32 to index
      %get3A_197 = arith.index_cast %mul3A_191 : i32 to index
      %get3A_198 = tpu.vector_load %arg6[%get3A_196, %get3A_197] {strides = array<i32>} : memref<2x16384xf32, #tpu.memory_space<vmem>>, vector<16xf32>,
      %get3A_199 = arith.constant 1 : i32
      %get3A_200 = arith.index_cast %get3A_199 : i32 to index
      %get3A_201 = arith.index_cast %mul3A_191 : i32 to index
      %get3A_202 = tpu.vector_load %arg7[%get3A_200, %get3A_201] {strides = array<i32>} : memref<2x16384xi32, #tpu.memory_space<vmem>>, vector<16xi32>,
      %eq3A_203 = arith.constant 0 : i32
      %eq3A_204 = vector.broadcast %eq3A_203 : i32 to vector<16xi32>
      %eq3A_205 = arith.cmpi eq, %get3A_202, %eq3A_204 : vector<16xi32>
      %select_n3A_206 = arith.select %eq3A_205, %get3A_194, %get3A_198 : vector<16xi1>, vector<16xf32>
      %bitcast3A = vector.bitcast %select_n3A_206 : vector<16xf32> to vector<16xi32>
      %shift_right_arithmetic3A = arith.constant 23 : i32
      %shift_right_arithmetic3A_207 = vector.broadcast %shift_right_arithmetic3A : i32 to vector<16xi32>
      %shift_right_arithmetic3A_208 = arith.shrsi %bitcast3A, %shift_right_arithmetic3A_207 : vector<16xi32>
      %convert_element_type3A = arith.sitofp %shift_right_arithmetic3A_208 : vector<16xi32> to vector<16xf32>
      %and3A_209 = arith.constant 8388607 : i32
      %and3A_210 = vector.broadcast %and3A_209 : i32 to vector<16xi32>
      %and3A_211 = arith.andi %bitcast3A, %and3A_210 : vector<16xi32>
      %or3A = arith.constant 1065353216 : i32
      %or3A_212 = vector.broadcast %or3A : i32 to vector<16xi32>
      %or3A_213 = arith.ori %and3A_211, %or3A_212 : vector<16xi32>
      %bitcast3A_214 = vector.bitcast %or3A_213 : vector<16xi32> to vector<16xf32>
      %sub3A_215 = arith.constant 1.000000e+00 : f32
      %sub3A_216 = vector.broadcast %sub3A_215 : f32 to vector<16xf32>
      %sub3A_217 = arith.subf %bitcast3A_214, %sub3A_216 : vector<16xf32>
      %mul3A_218 = arith.constant 0.0304490048 : f32
      %mul3A_219 = vector.broadcast %mul3A_218 : f32 to vector<16xf32>
      %mul3A_220 = arith.mulf %mul3A_219, %sub3A_217 : vector<16xf32>
      %add3A_221 = arith.constant -0.131581828 : f32
      %add3A_222 = vector.broadcast %add3A_221 : f32 to vector<16xf32>
      %add3A_223 = arith.addf %mul3A_220, %add3A_222 : vector<16xf32>
      %mul3A_224 = arith.mulf %add3A_223, %sub3A_217 : vector<16xf32>
      %add3A_225 = arith.constant 0.285272688 : f32
      %add3A_226 = vector.broadcast %add3A_225 : f32 to vector<16xf32>
      %add3A_227 = arith.addf %mul3A_224, %add3A_226 : vector<16xf32>
      %mul3A_228 = arith.mulf %add3A_227, %sub3A_217 : vector<16xf32>
      %add3A_229 = arith.constant -0.490230709 : f32
      %add3A_230 = vector.broadcast %add3A_229 : f32 to vector<16xf32>
      %add3A_231 = arith.addf %mul3A_228, %add3A_230 : vector<16xf32>
      %mul3A_232 = arith.mulf %add3A_231, %sub3A_217 : vector<16xf32>
      %add3A_233 = arith.constant 0.99923551 : f32
      %add3A_234 = vector.broadcast %add3A_233 : f32 to vector<16xf32>
      %add3A_235 = arith.addf %mul3A_232, %add3A_234 : vector<16xf32>
      %mul3A_236 = arith.mulf %add3A_235, %sub3A_217 : vector<16xf32>
      %add3A_237 = arith.constant -88.0296783 : f32
      %add3A_238 = vector.broadcast %add3A_237 : f32 to vector<16xf32>
      %add3A_239 = arith.addf %mul3A_236, %add3A_238 : vector<16xf32>
      %mul3A_240 = arith.constant 0.693147182 : f32
      %mul3A_241 = vector.broadcast %mul3A_240 : f32 to vector<16xf32>
      %mul3A_242 = arith.mulf %convert_element_type3A, %mul3A_241 : vector<16xf32>
      %add3A_243 = arith.addf %add3A_239, %mul3A_242 : vector<16xf32>
      %sub3A_244 = arith.constant 1.000000e+00 : f32
      %sub3A_245 = vector.broadcast %sub3A_244 : f32 to vector<16xf32>
      %sub3A_246 = arith.subf %sub3A_245, %select_n3A_206 : vector<16xf32>
      %mul3A_247 = arith.mulf %sub3A_246, %sub3A_246 : vector<16xf32>
      %mul3A_248 = arith.mulf %mul3A_247, %add3A_243 : vector<16xf32>
      %add3A_249 = arith.addf %scan3A_189, %mul3A_248 : vector<16xf32>
      %scan3A_250 = arith.constant 1 : i32
      %scan3A_251 = arith.addi %scan3A_188, %scan3A_250 : i32
      %mul3A_252 = arith.constant 16 : i32
      %mul3A_253 = arith.muli %scan3A_251, %mul3A_252 : i32
      %get3A_254 = arith.constant 1 : i32
      %get3A_255 = arith.index_cast %get3A_254 : i32 to index
      %get3A_256 = arith.index_cast %mul3A_253 : i32 to index
      %get3A_257 = tpu.vector_load %arg5[%get3A_255, %get3A_256] {strides = array<i32>} : memref<2x16384xf32, #tpu.memory_space<vmem>>, vector<16xf32>,
      %get3A_258 = arith.constant 1 : i32
      %get3A_259 = arith.index_cast %get3A_258 : i32 to index
      %get3A_260 = arith.index_cast %mul3A_253 : i32 to index
      %get3A_261 = tpu.vector_load %arg6[%get3A_259, %get3A_260] {strides = array<i32>} : memref<2x16384xf32, #tpu.memory_space<vmem>>, vector<16xf32>,
      %get3A_262 = arith.constant 1 : i32
      %get3A_263 = arith.index_cast %get3A_262 : i32 to index
      %get3A_264 = arith.index_cast %mul3A_253 : i32 to index
      %get3A_265 = tpu.vector_load %arg7[%get3A_263, %get3A_264] {strides = array<i32>} : memref<2x16384xi32, #tpu.memory_space<vmem>>, vector<16xi32>,
      %eq3A_266 = arith.constant 0 : i32
      %eq3A_267 = vector.broadcast %eq3A_266 : i32 to vector<16xi32>
      %eq3A_268 = arith.cmpi eq, %get3A_265, %eq3A_267 : vector<16xi32>
      %select_n3A_269 = arith.select %eq3A_268, %get3A_257, %get3A_261 : vector<16xi1>, vector<16xf32>
      %bitcast3A_270 = vector.bitcast %select_n3A_269 : vector<16xf32> to vector<16xi32>
      %shift_right_arithmetic3A_271 = arith.constant 23 : i32
      %shift_right_arithmetic3A_272 = vector.broadcast %shift_right_arithmetic3A_271 : i32 to vector<16xi32>
      %shift_right_arithmetic3A_273 = arith.shrsi %bitcast3A_270, %shift_right_arithmetic3A_272 : vector<16xi32>
      %convert_element_type3A_274 = arith.sitofp %shift_right_arithmetic3A_273 : vector<16xi32> to vector<16xf32>
      %and3A_275 = arith.constant 8388607 : i32
      %and3A_276 = vector.broadcast %and3A_275 : i32 to vector<16xi32>
      %and3A_277 = arith.andi %bitcast3A_270, %and3A_276 : vector<16xi32>
      %or3A_278 = arith.constant 1065353216 : i32
      %or3A_279 = vector.broadcast %or3A_278 : i32 to vector<16xi32>
      %or3A_280 = arith.ori %and3A_277, %or3A_279 : vector<16xi32>
      %bitcast3A_281 = vector.bitcast %or3A_280 : vector<16xi32> to vector<16xf32>
      %sub3A_282 = arith.constant 1.000000e+00 : f32
      %sub3A_283 = vector.broadcast %sub3A_282 : f32 to vector<16xf32>
      %sub3A_284 = arith.subf %bitcast3A_281, %sub3A_283 : vector<16xf32>
      %mul3A_285 = arith.constant 0.0304490048 : f32
      %mul3A_286 = vector.broadcast %mul3A_285 : f32 to vector<16xf32>
      %mul3A_287 = arith.mulf %mul3A_286, %sub3A_284 : vector<16xf32>
      %add3A_288 = arith.constant -0.131581828 : f32
      %add3A_289 = vector.broadcast %add3A_288 : f32 to vector<16xf32>
      %add3A_290 = arith.addf %mul3A_287, %add3A_289 : vector<16xf32>
      %mul3A_291 = arith.mulf %add3A_290, %sub3A_284 : vector<16xf32>
      %add3A_292 = arith.constant 0.285272688 : f32
      %add3A_293 = vector.broadcast %add3A_292 : f32 to vector<16xf32>
      %add3A_294 = arith.addf %mul3A_291, %add3A_293 : vector<16xf32>
      %mul3A_295 = arith.mulf %add3A_294, %sub3A_284 : vector<16xf32>
      %add3A_296 = arith.constant -0.490230709 : f32
      %add3A_297 = vector.broadcast %add3A_296 : f32 to vector<16xf32>
      %add3A_298 = arith.addf %mul3A_295, %add3A_297 : vector<16xf32>
      %mul3A_299 = arith.mulf %add3A_298, %sub3A_284 : vector<16xf32>
      %add3A_300 = arith.constant 0.99923551 : f32
      %add3A_301 = vector.broadcast %add3A_300 : f32 to vector<16xf32>
      %add3A_302 = arith.addf %mul3A_299, %add3A_301 : vector<16xf32>
      %mul3A_303 = arith.mulf %add3A_302, %sub3A_284 : vector<16xf32>
      %add3A_304 = arith.constant -88.0296783 : f32
      %add3A_305 = vector.broadcast %add3A_304 : f32 to vector<16xf32>
      %add3A_306 = arith.addf %mul3A_303, %add3A_305 : vector<16xf32>
      %mul3A_307 = arith.constant 0.693147182 : f32
      %mul3A_308 = vector.broadcast %mul3A_307 : f32 to vector<16xf32>
      %mul3A_309 = arith.mulf %convert_element_type3A_274, %mul3A_308 : vector<16xf32>
      %add3A_310 = arith.addf %add3A_306, %mul3A_309 : vector<16xf32>
      %sub3A_311 = arith.constant 1.000000e+00 : f32
      %sub3A_312 = vector.broadcast %sub3A_311 : f32 to vector<16xf32>
      %sub3A_313 = arith.subf %sub3A_312, %select_n3A_269 : vector<16xf32>
      %mul3A_314 = arith.mulf %sub3A_313, %sub3A_313 : vector<16xf32>
      %mul3A_315 = arith.mulf %mul3A_314, %add3A_310 : vector<16xf32>
      %add3A_316 = arith.addf %add3A_249, %mul3A_315 : vector<16xf32>
      %scan3A_317 = arith.constant 2 : i32
      %scan3A_318 = arith.addi %scan3A_188, %scan3A_317 : i32
      %mul3A_319 = arith.constant 16 : i32
      %mul3A_320 = arith.muli %scan3A_318, %mul3A_319 : i32
      %get3A_321 = arith.constant 1 : i32
      %get3A_322 = arith.index_cast %get3A_321 : i32 to index
      %get3A_323 = arith.index_cast %mul3A_320 : i32 to index
      %get3A_324 = tpu.vector_load %arg5[%get3A_322, %get3A_323] {strides = array<i32>} : memref<2x16384xf32, #tpu.memory_space<vmem>>, vector<16xf32>,
      %get3A_325 = arith.constant 1 : i32
      %get3A_326 = arith.index_cast %get3A_325 : i32 to index
      %get3A_327 = arith.index_cast %mul3A_320 : i32 to index
      %get3A_328 = tpu.vector_load %arg6[%get3A_326, %get3A_327] {strides = array<i32>} : memref<2x16384xf32, #tpu.memory_space<vmem>>, vector<16xf32>,
      %get3A_329 = arith.constant 1 : i32
      %get3A_330 = arith.index_cast %get3A_329 : i32 to index
      %get3A_331 = arith.index_cast %mul3A_320 : i32 to index
      %get3A_332 = tpu.vector_load %arg7[%get3A_330, %get3A_331] {strides = array<i32>} : memref<2x16384xi32, #tpu.memory_space<vmem>>, vector<16xi32>,
      %eq3A_333 = arith.constant 0 : i32
      %eq3A_334 = vector.broadcast %eq3A_333 : i32 to vector<16xi32>
      %eq3A_335 = arith.cmpi eq, %get3A_332, %eq3A_334 : vector<16xi32>
      %select_n3A_336 = arith.select %eq3A_335, %get3A_324, %get3A_328 : vector<16xi1>, vector<16xf32>
      %bitcast3A_337 = vector.bitcast %select_n3A_336 : vector<16xf32> to vector<16xi32>
      %shift_right_arithmetic3A_338 = arith.constant 23 : i32
      %shift_right_arithmetic3A_339 = vector.broadcast %shift_right_arithmetic3A_338 : i32 to vector<16xi32>
      %shift_right_arithmetic3A_340 = arith.shrsi %bitcast3A_337, %shift_right_arithmetic3A_339 : vector<16xi32>
      %convert_element_type3A_341 = arith.sitofp %shift_right_arithmetic3A_340 : vector<16xi32> to vector<16xf32>
      %and3A_342 = arith.constant 8388607 : i32
      %and3A_343 = vector.broadcast %and3A_342 : i32 to vector<16xi32>
      %and3A_344 = arith.andi %bitcast3A_337, %and3A_343 : vector<16xi32>
      %or3A_345 = arith.constant 1065353216 : i32
      %or3A_346 = vector.broadcast %or3A_345 : i32 to vector<16xi32>
      %or3A_347 = arith.ori %and3A_344, %or3A_346 : vector<16xi32>
      %bitcast3A_348 = vector.bitcast %or3A_347 : vector<16xi32> to vector<16xf32>
      %sub3A_349 = arith.constant 1.000000e+00 : f32
      %sub3A_350 = vector.broadcast %sub3A_349 : f32 to vector<16xf32>
      %sub3A_351 = arith.subf %bitcast3A_348, %sub3A_350 : vector<16xf32>
      %mul3A_352 = arith.constant 0.0304490048 : f32
      %mul3A_353 = vector.broadcast %mul3A_352 : f32 to vector<16xf32>
      %mul3A_354 = arith.mulf %mul3A_353, %sub3A_351 : vector<16xf32>
      %add3A_355 = arith.constant -0.131581828 : f32
      %add3A_356 = vector.broadcast %add3A_355 : f32 to vector<16xf32>
      %add3A_357 = arith.addf %mul3A_354, %add3A_356 : vector<16xf32>
      %mul3A_358 = arith.mulf %add3A_357, %sub3A_351 : vector<16xf32>
      %add3A_359 = arith.constant 0.285272688 : f32
      %add3A_360 = vector.broadcast %add3A_359 : f32 to vector<16xf32>
      %add3A_361 = arith.addf %mul3A_358, %add3A_360 : vector<16xf32>
      %mul3A_362 = arith.mulf %add3A_361, %sub3A_351 : vector<16xf32>
      %add3A_363 = arith.constant -0.490230709 : f32
      %add3A_364 = vector.broadcast %add3A_363 : f32 to vector<16xf32>
      %add3A_365 = arith.addf %mul3A_362, %add3A_364 : vector<16xf32>
      %mul3A_366 = arith.mulf %add3A_365, %sub3A_351 : vector<16xf32>
      %add3A_367 = arith.constant 0.99923551 : f32
      %add3A_368 = vector.broadcast %add3A_367 : f32 to vector<16xf32>
      %add3A_369 = arith.addf %mul3A_366, %add3A_368 : vector<16xf32>
      %mul3A_370 = arith.mulf %add3A_369, %sub3A_351 : vector<16xf32>
      %add3A_371 = arith.constant -88.0296783 : f32
      %add3A_372 = vector.broadcast %add3A_371 : f32 to vector<16xf32>
      %add3A_373 = arith.addf %mul3A_370, %add3A_372 : vector<16xf32>
      %mul3A_374 = arith.constant 0.693147182 : f32
      %mul3A_375 = vector.broadcast %mul3A_374 : f32 to vector<16xf32>
      %mul3A_376 = arith.mulf %convert_element_type3A_341, %mul3A_375 : vector<16xf32>
      %add3A_377 = arith.addf %add3A_373, %mul3A_376 : vector<16xf32>
      %sub3A_378 = arith.constant 1.000000e+00 : f32
      %sub3A_379 = vector.broadcast %sub3A_378 : f32 to vector<16xf32>
      %sub3A_380 = arith.subf %sub3A_379, %select_n3A_336 : vector<16xf32>
      %mul3A_381 = arith.mulf %sub3A_380, %sub3A_380 : vector<16xf32>
      %mul3A_382 = arith.mulf %mul3A_381, %add3A_377 : vector<16xf32>
      %add3A_383 = arith.addf %add3A_316, %mul3A_382 : vector<16xf32>
      %scan3A_384 = arith.constant 3 : i32
      %scan3A_385 = arith.addi %scan3A_188, %scan3A_384 : i32
      %mul3A_386 = arith.constant 16 : i32
      %mul3A_387 = arith.muli %scan3A_385, %mul3A_386 : i32
      %get3A_388 = arith.constant 1 : i32
      %get3A_389 = arith.index_cast %get3A_388 : i32 to index
      %get3A_390 = arith.index_cast %mul3A_387 : i32 to index
      %get3A_391 = tpu.vector_load %arg5[%get3A_389, %get3A_390] {strides = array<i32>} : memref<2x16384xf32, #tpu.memory_space<vmem>>, vector<16xf32>,
      %get3A_392 = arith.constant 1 : i32
      %get3A_393 = arith.index_cast %get3A_392 : i32 to index
      %get3A_394 = arith.index_cast %mul3A_387 : i32 to index
      %get3A_395 = tpu.vector_load %arg6[%get3A_393, %get3A_394] {strides = array<i32>} : memref<2x16384xf32, #tpu.memory_space<vmem>>, vector<16xf32>,
      %get3A_396 = arith.constant 1 : i32
      %get3A_397 = arith.index_cast %get3A_396 : i32 to index
      %get3A_398 = arith.index_cast %mul3A_387 : i32 to index
      %get3A_399 = tpu.vector_load %arg7[%get3A_397, %get3A_398] {strides = array<i32>} : memref<2x16384xi32, #tpu.memory_space<vmem>>, vector<16xi32>,
      %eq3A_400 = arith.constant 0 : i32
      %eq3A_401 = vector.broadcast %eq3A_400 : i32 to vector<16xi32>
      %eq3A_402 = arith.cmpi eq, %get3A_399, %eq3A_401 : vector<16xi32>
      %select_n3A_403 = arith.select %eq3A_402, %get3A_391, %get3A_395 : vector<16xi1>, vector<16xf32>
      %bitcast3A_404 = vector.bitcast %select_n3A_403 : vector<16xf32> to vector<16xi32>
      %shift_right_arithmetic3A_405 = arith.constant 23 : i32
      %shift_right_arithmetic3A_406 = vector.broadcast %shift_right_arithmetic3A_405 : i32 to vector<16xi32>
      %shift_right_arithmetic3A_407 = arith.shrsi %bitcast3A_404, %shift_right_arithmetic3A_406 : vector<16xi32>
      %convert_element_type3A_408 = arith.sitofp %shift_right_arithmetic3A_407 : vector<16xi32> to vector<16xf32>
      %and3A_409 = arith.constant 8388607 : i32
      %and3A_410 = vector.broadcast %and3A_409 : i32 to vector<16xi32>
      %and3A_411 = arith.andi %bitcast3A_404, %and3A_410 : vector<16xi32>
      %or3A_412 = arith.constant 1065353216 : i32
      %or3A_413 = vector.broadcast %or3A_412 : i32 to vector<16xi32>
      %or3A_414 = arith.ori %and3A_411, %or3A_413 : vector<16xi32>
      %bitcast3A_415 = vector.bitcast %or3A_414 : vector<16xi32> to vector<16xf32>
      %sub3A_416 = arith.constant 1.000000e+00 : f32
      %sub3A_417 = vector.broadcast %sub3A_416 : f32 to vector<16xf32>
      %sub3A_418 = arith.subf %bitcast3A_415, %sub3A_417 : vector<16xf32>
      %mul3A_419 = arith.constant 0.0304490048 : f32
      %mul3A_420 = vector.broadcast %mul3A_419 : f32 to vector<16xf32>
      %mul3A_421 = arith.mulf %mul3A_420, %sub3A_418 : vector<16xf32>
      %add3A_422 = arith.constant -0.131581828 : f32
      %add3A_423 = vector.broadcast %add3A_422 : f32 to vector<16xf32>
      %add3A_424 = arith.addf %mul3A_421, %add3A_423 : vector<16xf32>
      %mul3A_425 = arith.mulf %add3A_424, %sub3A_418 : vector<16xf32>
      %add3A_426 = arith.constant 0.285272688 : f32
      %add3A_427 = vector.broadcast %add3A_426 : f32 to vector<16xf32>
      %add3A_428 = arith.addf %mul3A_425, %add3A_427 : vector<16xf32>
      %mul3A_429 = arith.mulf %add3A_428, %sub3A_418 : vector<16xf32>
      %add3A_430 = arith.constant -0.490230709 : f32
      %add3A_431 = vector.broadcast %add3A_430 : f32 to vector<16xf32>
      %add3A_432 = arith.addf %mul3A_429, %add3A_431 : vector<16xf32>
      %mul3A_433 = arith.mulf %add3A_432, %sub3A_418 : vector<16xf32>
      %add3A_434 = arith.constant 0.99923551 : f32
      %add3A_435 = vector.broadcast %add3A_434 : f32 to vector<16xf32>
      %add3A_436 = arith.addf %mul3A_433, %add3A_435 : vector<16xf32>
      %mul3A_437 = arith.mulf %add3A_436, %sub3A_418 : vector<16xf32>
      %add3A_438 = arith.constant -88.0296783 : f32
      %add3A_439 = vector.broadcast %add3A_438 : f32 to vector<16xf32>
      %add3A_440 = arith.addf %mul3A_437, %add3A_439 : vector<16xf32>
      %mul3A_441 = arith.constant 0.693147182 : f32
      %mul3A_442 = vector.broadcast %mul3A_441 : f32 to vector<16xf32>
      %mul3A_443 = arith.mulf %convert_element_type3A_408, %mul3A_442 : vector<16xf32>
      %add3A_444 = arith.addf %add3A_440, %mul3A_443 : vector<16xf32>
      %sub3A_445 = arith.constant 1.000000e+00 : f32
      %sub3A_446 = vector.broadcast %sub3A_445 : f32 to vector<16xf32>
      %sub3A_447 = arith.subf %sub3A_446, %select_n3A_403 : vector<16xf32>
      %mul3A_448 = arith.mulf %sub3A_447, %sub3A_447 : vector<16xf32>
      %mul3A_449 = arith.mulf %mul3A_448, %add3A_444 : vector<16xf32>
      %add3A_450 = arith.addf %add3A_383, %mul3A_449 : vector<16xf32>
      scf.yield %add3A_450 : vector<16xf32>
    }
    %scan3A_186 = arith.constant 1024 : i32
    %swap3A = arith.constant 0 : index
    %swap3A_187 = tpu.vector_load %arg8[%swap3A] {strides = array<i32>} : memref<16xf32, #tpu.memory_space<vmem>>, vector<16xf32>,
    tpu.vector_store %arg8[%swap3A], %scan3A_185 {strides = array<i32>} : memref<16xf32, #tpu.memory_space<vmem>>, vector<16xf32>,
    "tpu.region"() ({
      %run_scoped3A = tpu.sem_alloc : memref<!tpu.dma_semaphore, #tpu.memory_space<semaphore_mem>>
      %dma_start3A_188 = arith.constant 0 : i32
      %dma_start3A_189 = tpu.memref_slice %arg4[%add3A, %dma_start3A_188] : memref<32x16xf32, #tpu.memory_space<hbm>> -> memref<1x16xf32, #tpu.memory_space<hbm>>
      %dma_start3A_190 = tpu.memref_squeeze %dma_start3A_189 : memref<1x16xf32, #tpu.memory_space<hbm>> -> memref<16xf32, #tpu.memory_space<hbm>>
      %dma_start3A_191 = arith.constant 0 : i32
      %dma_start3A_192 = tpu.memref_slice %arg4[%add3A, %dma_start3A_191] : memref<32x16xf32, #tpu.memory_space<hbm>> -> memref<1x16xf32, #tpu.memory_space<hbm>>
      %dma_start3A_193 = tpu.memref_squeeze %dma_start3A_192 : memref<1x16xf32, #tpu.memory_space<hbm>> -> memref<16xf32, #tpu.memory_space<hbm>>
      tpu.enqueue_dma source(%arg8 : memref<16xf32, #tpu.memory_space<vmem>>) target(%dma_start3A_193 : memref<16xf32, #tpu.memory_space<hbm>>) target_semaphore(%run_scoped3A : memref<!tpu.dma_semaphore, #tpu.memory_space<semaphore_mem>>)
      %dma_wait3A_194 = arith.constant 0 : i32
      %dma_wait3A_195 = tpu.memref_slice %arg4[%add3A, %dma_wait3A_194] : memref<32x16xf32, #tpu.memory_space<hbm>> -> memref<1x16xf32, #tpu.memory_space<hbm>>
      %dma_wait3A_196 = tpu.memref_squeeze %dma_wait3A_195 : memref<1x16xf32, #tpu.memory_space<hbm>> -> memref<16xf32, #tpu.memory_space<hbm>>
      %dma_wait3A_197 = arith.constant 0 : i32
      %dma_wait3A_198 = tpu.memref_slice %arg4[%add3A, %dma_wait3A_197] : memref<32x16xf32, #tpu.memory_space<hbm>> -> memref<1x16xf32, #tpu.memory_space<hbm>>
      %dma_wait3A_199 = tpu.memref_squeeze %dma_wait3A_198 : memref<1x16xf32, #tpu.memory_space<hbm>> -> memref<16xf32, #tpu.memory_space<hbm>>
      tpu.wait_dma2 semaphore(%run_scoped3A : memref<!tpu.dma_semaphore, #tpu.memory_space<semaphore_mem>>) src(%arg8 : memref<16xf32, #tpu.memory_space<vmem>>) dst(%dma_wait3A_199 : memref<16xf32, #tpu.memory_space<hbm>>)
      tpu.yield
    }) : () -> ()
    return
  }
}

module attributes {stable_mosaic.version = 14 : i64} {
  func.func @_tc_body(%arg0: i32, %arg1: memref<1x2x512x512xf32, #tpu.memory_space<vmem>>, %arg2: memref<1x512x512xi32, #tpu.memory_space<vmem>>, %arg3: memref<1x8x128xf32, #tpu.memory_space<vmem>>) attributes {dimension_semantics = [#tpu.dimension_semantics<arbitrary>], iteration_bounds = array<i64: 28>, scalar_prefetch = 0 : i64, scratch_operands = 0 : i64, tpu.core_type = #tpu.core_type<tc>, window_params = [{transform_indices = @transform_0, window_bounds = array<i64: 1, 2, 512, 512>}, {transform_indices = @transform_1, window_bounds = array<i64: 1, 512, 512>}, {transform_indices = @transform_2, window_bounds = array<i64: 1, 8, 128>}]} {
    %get3A = arith.constant 0 : index
    %get3A_0 = arith.constant 0 : index
    %get3A_1 = arith.constant 0 : index
    %get3A_2 = arith.constant 0 : index
    %get3A_3 = vector.load %arg1[%get3A, %get3A_0, %get3A_1, %get3A_2] : memref<1x2x512x512xf32, #tpu.memory_space<vmem>>, vector<1x1x512x512xf32>
    %get3A_4 = vector.shape_cast %get3A_3 : vector<1x1x512x512xf32> to vector<512x512xf32>
    %get3A_5 = arith.constant 0 : index
    %get3A_6 = arith.constant 1 : index
    %get3A_7 = arith.constant 0 : index
    %get3A_8 = arith.constant 0 : index
    %get3A_9 = vector.load %arg1[%get3A_5, %get3A_6, %get3A_7, %get3A_8] : memref<1x2x512x512xf32, #tpu.memory_space<vmem>>, vector<1x1x512x512xf32>
    %get3A_10 = vector.shape_cast %get3A_9 : vector<1x1x512x512xf32> to vector<512x512xf32>
    %get3A_11 = arith.constant 0 : index
    %get3A_12 = arith.constant 0 : index
    %get3A_13 = arith.constant 0 : index
    %get3A_14 = vector.load %arg2[%get3A_11, %get3A_12, %get3A_13] : memref<1x512x512xi32, #tpu.memory_space<vmem>>, vector<1x512x512xi32>
    %get3A_15 = vector.shape_cast %get3A_14 : vector<1x512x512xi32> to vector<512x512xi32>
    %eq3A = arith.constant 0 : i32
    %eq3A_16 = vector.broadcast %eq3A : i32 to vector<512x512xi32>
    %eq3A_17 = arith.cmpi eq, %get3A_15, %eq3A_16 : vector<512x512xi32>
    %select_n3A = arith.select %eq3A_17, %get3A_4, %get3A_10 : vector<512x512xi1>, vector<512x512xf32>
    %bitcast_convert_type3A = tpu.bitcast %select_n3A : vector<512x512xf32> -> vector<512x512xi32>
    %shift_right_arithmetic3A = arith.constant 23 : i32
    %shift_right_arithmetic3A_18 = vector.broadcast %shift_right_arithmetic3A : i32 to vector<512x512xi32>
    %shift_right_arithmetic3A_19 = arith.shrsi %bitcast_convert_type3A, %shift_right_arithmetic3A_18 : vector<512x512xi32>
    %convert_element_type3A = arith.sitofp %shift_right_arithmetic3A_19 : vector<512x512xi32> to vector<512x512xf32>
    %and3A = arith.constant 8388607 : i32
    %and3A_20 = vector.broadcast %and3A : i32 to vector<512x512xi32>
    %and3A_21 = arith.andi %bitcast_convert_type3A, %and3A_20 : vector<512x512xi32>
    %or3A = arith.constant 1065353216 : i32
    %or3A_22 = vector.broadcast %or3A : i32 to vector<512x512xi32>
    %or3A_23 = arith.ori %and3A_21, %or3A_22 : vector<512x512xi32>
    %bitcast_convert_type3A_24 = tpu.bitcast %or3A_23 : vector<512x512xi32> -> vector<512x512xf32>
    %sub3A = arith.constant 1.000000e+00 : f32
    %sub3A_25 = vector.broadcast %sub3A : f32 to vector<512x512xf32>
    %sub3A_26 = arith.subf %bitcast_convert_type3A_24, %sub3A_25 : vector<512x512xf32>
    %mul3A = arith.constant 0.0304490048 : f32
    %mul3A_27 = vector.broadcast %mul3A : f32 to vector<512x512xf32>
    %mul3A_28 = arith.mulf %mul3A_27, %sub3A_26 : vector<512x512xf32>
    %add3A = arith.constant -0.131581828 : f32
    %add3A_29 = vector.broadcast %add3A : f32 to vector<512x512xf32>
    %add3A_30 = arith.addf %mul3A_28, %add3A_29 : vector<512x512xf32>
    %mul3A_31 = arith.mulf %add3A_30, %sub3A_26 : vector<512x512xf32>
    %add3A_32 = arith.constant 0.285272688 : f32
    %add3A_33 = vector.broadcast %add3A_32 : f32 to vector<512x512xf32>
    %add3A_34 = arith.addf %mul3A_31, %add3A_33 : vector<512x512xf32>
    %mul3A_35 = arith.mulf %add3A_34, %sub3A_26 : vector<512x512xf32>
    %add3A_36 = arith.constant -0.490230709 : f32
    %add3A_37 = vector.broadcast %add3A_36 : f32 to vector<512x512xf32>
    %add3A_38 = arith.addf %mul3A_35, %add3A_37 : vector<512x512xf32>
    %mul3A_39 = arith.mulf %add3A_38, %sub3A_26 : vector<512x512xf32>
    %add3A_40 = arith.constant 0.99923551 : f32
    %add3A_41 = vector.broadcast %add3A_40 : f32 to vector<512x512xf32>
    %add3A_42 = arith.addf %mul3A_39, %add3A_41 : vector<512x512xf32>
    %mul3A_43 = arith.mulf %add3A_42, %sub3A_26 : vector<512x512xf32>
    %add3A_44 = arith.constant -88.0296783 : f32
    %add3A_45 = vector.broadcast %add3A_44 : f32 to vector<512x512xf32>
    %add3A_46 = arith.addf %mul3A_43, %add3A_45 : vector<512x512xf32>
    %mul3A_47 = arith.constant 0.693147182 : f32
    %mul3A_48 = vector.broadcast %mul3A_47 : f32 to vector<512x512xf32>
    %mul3A_49 = arith.mulf %convert_element_type3A, %mul3A_48 : vector<512x512xf32>
    %add3A_50 = arith.addf %add3A_46, %mul3A_49 : vector<512x512xf32>
    %sub3A_51 = arith.constant 1.000000e+00 : f32
    %sub3A_52 = vector.broadcast %sub3A_51 : f32 to vector<512x512xf32>
    %sub3A_53 = arith.subf %sub3A_52, %select_n3A : vector<512x512xf32>
    %mul3A_54 = arith.mulf %sub3A_53, %sub3A_53 : vector<512x512xf32>
    %mul3A_55 = arith.mulf %mul3A_54, %add3A_50 : vector<512x512xf32>
    %slice3A = vector.extract_strided_slice %mul3A_55 {offsets = [0, 0], sizes = [512, 128], strides = [1, 1]} : vector<512x512xf32> to vector<512x128xf32>
    %slice3A_56 = vector.extract_strided_slice %mul3A_55 {offsets = [0, 128], sizes = [512, 128], strides = [1, 1]} : vector<512x512xf32> to vector<512x128xf32>
    %add3A_57 = arith.addf %slice3A, %slice3A_56 : vector<512x128xf32>
    %slice3A_58 = vector.extract_strided_slice %mul3A_55 {offsets = [0, 256], sizes = [512, 128], strides = [1, 1]} : vector<512x512xf32> to vector<512x128xf32>
    %add3A_59 = arith.addf %add3A_57, %slice3A_58 : vector<512x128xf32>
    %slice3A_60 = vector.extract_strided_slice %mul3A_55 {offsets = [0, 384], sizes = [512, 128], strides = [1, 1]} : vector<512x512xf32> to vector<512x128xf32>
    %add3A_61 = arith.addf %add3A_59, %slice3A_60 : vector<512x128xf32>
    %reshape3A = vector.shape_cast %add3A_61 : vector<512x128xf32> to vector<64x8x128xf32>
    %reduce_sum3A = arith.constant dense<0.000000e+00> : vector<8x128xf32>
    %reduce_sum3A_62 = vector.multi_reduction <add>, %reshape3A, %reduce_sum3A [0] : vector<64x8x128xf32> to vector<8x128xf32>
    %swap3A = arith.constant 0 : index
    %swap3A_63 = arith.constant 0 : index
    %swap3A_64 = arith.constant 0 : index
    %swap3A_65 = vector.load %arg3[%swap3A, %swap3A_63, %swap3A_64] : memref<1x8x128xf32, #tpu.memory_space<vmem>>, vector<1x8x128xf32>
    %swap3A_66 = vector.shape_cast %swap3A_65 : vector<1x8x128xf32> to vector<8x128xf32>
    %swap3A_67 = vector.shape_cast %reduce_sum3A_62 : vector<8x128xf32> to vector<1x8x128xf32>
    tpu.vector_store %arg3[%swap3A, %swap3A_63, %swap3A_64], %swap3A_67 {strides = array<i32>} : memref<1x8x128xf32, #tpu.memory_space<vmem>>, vector<1x8x128xf32>,
    return
  }
  func.func @transform_0(%arg0: i32) -> (i32, i32, i32, i32) {
    %add3A = arith.constant 4 : i32
    %add3A_0 = arith.addi %arg0, %add3A : i32
    %c0_i32 = arith.constant 0 : i32
    %c0_i32_1 = arith.constant 0 : i32
    %c0_i32_2 = arith.constant 0 : i32
    %c0_i32_3 = arith.constant 0 : i32
    return %add3A_0, %c0_i32, %c0_i32_1, %c0_i32_2 : i32, i32, i32, i32
  }
  func.func @transform_1(%arg0: i32) -> (i32, i32, i32) {
    %add3A = arith.constant 4 : i32
    %add3A_0 = arith.addi %arg0, %add3A : i32
    %c0_i32 = arith.constant 0 : i32
    %c0_i32_1 = arith.constant 0 : i32
    %c0_i32_2 = arith.constant 0 : i32
    return %add3A_0, %c0_i32, %c0_i32_1 : i32, i32, i32
  }
  func.func @transform_2(%arg0: i32) -> (i32, i32, i32) {
    %c0_i32 = arith.constant 0 : i32
    %c0_i32_0 = arith.constant 0 : i32
    %c0_i32_1 = arith.constant 0 : i32
    return %arg0, %c0_i32, %c0_i32_0 : i32, i32, i32
  }
}

</mosaic_0001>

<sc_bundles>
// kernel: kernel.4.cloned.1.call-start
scs
__scs_entry_jumppad:
0x0: {  	(pc) =	sbr.rel $0x88, $3  }
0x1: {  	(tag) =	ssettag $0x0;
	lr =	simm.s32 $0x1  }
0x2: {  	[smem:$0x3F9F] =	sst lr;
	_ =	strace $0xD0000000  }
0x3: {  	_ = 	snop  }
0x4: {  	_ = 	snop  }
0x5: {  	_ = 	snop  }
0x6: {  	_ = 	snop  }
0x7: {  	_ = 	snop  }
__scs_overlays_trampoline_lowered:
0x8: {  	[smem:$0x3FAE] =	sst s0  }
0x9: {  	[smem:$0x3FAF] =	sst s1  }
0xa: {  	[smem:$0x3FB0] =	sst s2  }
0xb: {  	[smem:$0x3FB1] =	sst s3  }
0xc: {  	[smem:$0x3FB2] =	sst s4  }
0xd: {  	[smem:$0x3FB3] =	sst s5  }
0xe: {  	[smem:$0x3FB4] =	sst s6  }
0xf: {  	[smem:$0x3FB5] =	sst s7  }
0x10: {  	[smem:$0x3FB6] =	sst s8  }
0x11: {  	[smem:$0x3FB7] =	sst s9;
	s0 =	simm.s32 @!p0 $0x0  }
0x12: {  	s1 =	sld [smem:$0x3F9D];
	s0 =	simm.s32 @p0 $0x1  }
0x13: {  	[smem:$0x3FB8] =	sst s0;
	s0 =	simm.s32 @!p1 $0x0  }
0x14: {  	s2 =	sld [smem:$0x3F9C];
	s0 =	simm.s32 @p1 $0x1  }
0x15: {  	[smem:$0x3FB9] =	sst s0;
	s0 =	simm.s32 @!p2 $0x0  }
0x16: {  	s3 =	sld [smem:$0x3FDB];
	s0 =	simm.s32 @p2 $0x1  }
0x17: {  	s4 =	simm.s32 $0x1BF5;
	[smem:$0x3FBB] =	sst s0  }
0x18: {  	s0 =	sld [smem:$0x3F9E];
	_ =	swait.ge [sflag:s4], $0x0  }
0x19: {  	s7 =	sld [smem:$0x3F9F]  }
0x1a: {  	s8 =	sadd.s32 $0xFFFFE003, lr  }
0x1b: {  	s9 =	sadd.s32 $0xFFFFFEF7, lr;
	s5 =	simm.s32 $0xFFFFFFFF;
	p2 =	slt.u32 s8, $0xFFFFF086  }
0x1c: {  	p1 =	slt.u32 s9, $0xF7A;
	s5 =	simm.s32 @!p2 $0x0  }
0x1d: {  	s5 =	simm.s32 @p1 $0x1;
	p0 =	seq.s32 s7, s2  }
0x1e: {  	s7 =	smul.u32 @!p0 $0xF7A, s2;
	p2 =	seq.s32 @!p0 s5, $0x0  }
0x1f: {  	s9 =	smul.u32 $0xF7A, s1;
	s8 =	simm.s32 @!p0 $0x1BF5;
	p2 =	por !p2, p0  }
0x20: {  	[sflag:s8] =	ssyncset.s32 @!p0 $0xFFFFF086;
	s6 =	sadd.s32 @!p0 s3, s7;
	s7 =	simm.s32 @!p0 $0x108  }
0x21: {  	s3 =	sadd.s32 s3, s9;
	s6 =	sadd.s32 @!p0 $0x88, s6;
	s7 =	simm.s32 @p2 $0x1082  }
0x22: {  	[simem:s7], [sflag:s8] =	dma.local @!p0 [hbm:s6], $0xF7A  }
0x23: {  	s9 =	sor.u32 $0xD0000000, s2;
	s6 =	simm.s32 $0x108;
	_ =	swait.ge @!p0 [sflag:s8], $0x0  }
0x24: {  	s3 =	sadd.s32 $0x88, s3;
	s6 =	simm.s32 @!p1 $0x1082;
	[sflag:s4] =	ssyncset.s32 $0xFFFFF086  }
0x25: {  	[simem:s6], [sflag:s4] =	dma.local [hbm:s3], $0xF7A  }
0x26: {  	[smem:$0x3F9F] =	sst s1;
	(tag) =	ssettag s2;
	_ =	strace s9  }
0x27: {  	s1 =	sld [smem:$0x3FAF]  }
0x28: {  	s2 =	sld [smem:$0x3FB0]  }
0x29: {  	s4 =	sld [smem:$0x3FB2]  }
0x2a: {  	p0 =	seq.s32 s5, $0x0;
	s5 =	sld [smem:$0x3FB3]  }
0x2b: {  	s6 =	sld [smem:$0x3FB4]  }
0x2c: {  	s7 =	sld [smem:$0x3FB5]  }
0x2d: {  	s3 =	simm.s32 $0x108;
	s8 =	sld [smem:$0x3FB6]  }
0x2e: {  	s3 =	simm.s32 @!p0 $0x1082;
	s9 =	sld [smem:$0x3FB7]  }
0x2f: {  	lr =	sadd.s32 s0, s3;
	s0 =	sld [smem:$0x3FAE]  }
0x30: {  	s3 =	sld [smem:$0x3FB1]  }
0x31: {  	[smem:$0x3FBA] =	sst s10  }
0x32: {  	s10 =	sld [smem:$0x3FB8];
	_ =	sdelay $0x3  }
0x33: {  	p0 =	seq.s32 s10, $0x1;
	s10 =	sld [smem:$0x3FBA];
	_ =	sdelay $0x3  }
0x34: {  	[smem:$0x3FBA] =	sst s10  }
0x35: {  	s10 =	sld [smem:$0x3FB9];
	_ =	sdelay $0x3  }
0x36: {  	p1 =	seq.s32 s10, $0x1;
	s10 =	sld [smem:$0x3FBA];
	_ =	sdelay $0x3  }
0x37: {  	[smem:$0x3FBA] =	sst s10  }
0x38: {  	s10 =	sld [smem:$0x3FBB]  }
0x39: {  	_ = 	snop;
	(pc) =	sbr.ind lr, $3  }
0x3a: {  	_ = 	snop  }
0x3b: {  	_ = 	snop  }
0x3c: {  	p2 =	seq.s32 s10, $0x1;
	s10 =	sld [smem:$0x3FBA]  }
0x3d: {  	_ =	shalt  }
0x3e: {  	_ =	shalt  }
0x3f: {  	_ =	shalt  }
0x40: {  	_ =	shalt  }
0x41: {  	_ =	shalt  }
0x42: {  	_ =	shalt  }
0x43: {  	_ =	shalt  }
0x44: {  	_ =	shalt  }
0x45: {  	_ =	shalt  }
0x46: {  	_ =	shalt  }
0x47: {  	_ =	shalt  }
0x48: {  	_ =	shalt  }
0x49: {  	_ =	shalt  }
0x4a: {  	_ =	shalt  }
0x4b: {  	_ =	shalt  }
0x4c: {  	_ =	shalt  }
0x4d: {  	_ =	shalt  }
0x4e: {  	_ =	shalt  }
0x4f: {  	_ =	shalt  }
0x50: {  	_ =	shalt  }
0x51: {  	_ =	shalt  }
0x52: {  	_ =	shalt  }
0x53: {  	_ =	shalt  }
0x54: {  	_ =	shalt  }
0x55: {  	_ =	shalt  }
0x56: {  	_ =	shalt  }
0x57: {  	_ =	shalt  }
0x58: {  	_ =	shalt  }
0x59: {  	_ =	shalt  }
0x5a: {  	_ =	shalt  }
0x5b: {  	_ =	shalt  }
0x5c: {  	_ =	shalt  }
0x5d: {  	_ =	shalt  }
0x5e: {  	_ =	shalt  }
0x5f: {  	_ =	shalt  }
0x60: {  	_ =	shalt  }
0x61: {  	_ =	shalt  }
0x62: {  	_ =	shalt  }
0x63: {  	_ =	shalt  }
0x64: {  	_ =	shalt  }
0x65: {  	_ =	shalt  }
0x66: {  	_ =	shalt  }
0x67: {  	_ =	shalt  }
0x68: {  	_ =	shalt  }
0x69: {  	_ =	shalt  }
0x6a: {  	_ =	shalt  }
0x6b: {  	_ =	shalt  }
0x6c: {  	_ =	shalt  }
0x6d: {  	_ =	shalt  }
0x6e: {  	_ =	shalt  }
0x6f: {  	_ =	shalt  }
0x70: {  	_ =	shalt  }
0x71: {  	_ =	shalt  }
0x72: {  	_ =	shalt  }
0x73: {  	_ =	shalt  }
0x74: {  	_ =	shalt  }
0x75: {  	_ =	shalt  }
0x76: {  	_ =	shalt  }
0x77: {  	_ =	shalt  }
0x78: {  	_ =	shalt  }
0x79: {  	_ =	shalt  }
0x7a: {  	_ =	shalt  }
0x7b: {  	_ =	shalt  }
0x7c: {  	_ =	shalt  }
0x7d: {  	_ =	shalt  }
0x7e: {  	_ =	shalt  }
0x7f: {  	_ =	shalt  }
0x80: {  	_ =	shalt  }
0x81: {  	_ =	shalt  }
0x82: {  	_ =	shalt  }
0x83: {  	_ =	shalt  }
0x84: {  	_ =	shalt  }
0x85: {  	_ =	shalt  }
0x86: {  	_ =	shalt  }
0x87: {  	_ =	shalt  }
.Lfunc_end0:
.L_simem_size_0:
called_computation_lowered:
.L_overlay_start_0:
0x88: {  	s2 =	sld [smem:$0x3FD9]  }
0x89: {  	s3 =	sld [smem:$0x3FFE];
	_ =	sdelay $0x1  }
0x8a: {  	s1 =	srdreg.scid  }
0x8b: {  	s0 =	sand.u32 $0x1, s1  }
0x8c: {  	s16 =	sshll.u32 s0, $0xA;
	s2 =	sadd.s32 s3, s2  }
0x8d: {  	s2 =	sadd.s32 s2, s16  }
0x8e: {  	[smem:$0x3FC6] =	sst s2  }
0x8f: {  	_ = 	snop  }
0x90: {  	(tm) =	ssettm $0x1  }
0x91: {  	s17 =	sld [smem:$0x3FFB];
	_ =	sdelay $0x3  }
0x92: {  	_ =	strace s17  }
0x93: {  	s2 =	sld [smem:$0x3FFC];
	_ =	sdelay $0x3  }
0x94: {  	_ =	strace s2  }
0x95: {  	s2 =	sld [smem:$0x3FFD];
	_ =	sdelay $0x3  }
0x96: {  	_ =	strace s2  }
0x97: {  	_ =	strace $0x8FFFFFFF  }
0x98: {  	s18 =	sld [smem:$0x3FDB];
	_ =	sdelay $0x1  }
0x99: {  	s19 =	simm.s32 $_scs_section_size  }
0x9a: {  	s4 =	simm.s32 $_size__tile_overlayer_lowered;
	s5 =	simm.s32 $_tile_overlayer_lowered  }
0x9b: {  	s22 =	simm.s32 $0x1BFF;
	s21 =	sshll.u32 s5, $0x1;
	s2 =	sadd.s32 s19, s18  }
0x9c: {  	s6 =	simm.s32 $0x0;
	s20 =	sshll.u32 s4, $0x1;
	s4 =	sadd.s32 s21, s2  }
0x9d: {  	[timem:s6], [sflag:s22] =	dma.local [hbm:s4], s20  }
0x9e: {  	_ =	swait.ge [sflag:s22], s20  }
0x9f: {  	s3 =	ssub.s32 $0x0, s20;
	[sflag:s22] =	ssyncset.done $0x0  }
0xa0: {  	[sflag:s22] =	ssyncadd.s32 s3;
	_ =	sdelay $0x1  }
0xa1: {  	s23 =	simm.s32 $0x1B8B  }
0xa2: {  	_ =	swait.ge [sflag:s23], $0x1  }
0xa3: {  	[sflag:s23] =	ssyncset.done $0x0  }
0xa4: {  	s25 =	simm.s32 $0x1B8E;
	s24 =	sld [smem:$0x3FFE];
	[sflag:s23] =	ssyncadd.s32 $0xFFFFFFFF  }
0xa5: {  	s26 =	simm.s32 $execute0_lowered;
	[smem:$0x3FD2] =	sst s25  }
0xa6: {  	s4 =	sshll.u32 s26, $0x1;
	_ =	strace $0x80000046;
	[dreg:$0x1] =	wrdreg $0xFFFFFFFF  }
0xa7: {  	s28 =	simm.s32 $_size_execute0_lowered;
	s2 =	sadd.s32 s2, s4;
	[dreg:$0x0] =	wrdreg $0x0  }
0xa8: {  	s4 =	sshll.u32 s28, $0x1;
	[dreg:$0x2] =	wrdreg s2  }
0xa9: {  	[dreg:$0x3] =	wrdreg s4  }
0xaa: {  	[dreg:$0x4] =	wrdreg $0xC0  }
0xab: {  	_ =	task [dreg:s6], $0x5FFFF  }
0xac: {  	[dreg:$0x1] =	wrdreg $0xFFFFFFFF  }
0xad: {  	[dreg:$0x0] =	wrdreg $0x60  }
0xae: {  	[dreg:$0x2] =	wrdreg s24  }
0xaf: {  	[dreg:$0x3] =	wrdreg $0x9  }
0xb0: {  	_ =	task.clear_ibuf [dreg:s6], $0x4FFFF;
	_ =	strace $0x90000046  }
0xb1: {  	s29 =	simm.s32 $0x9;
	_ =	strace $0x80000048  }
0xb2: {  	_ =	swait.ge [sflag:s29], $0x1  }
0xb3: {  	[sflag:s29] =	ssyncadd.s32 $0xFFFFFFFF  }
0xb4: {  	_ =	strace $0x90000048  }
0xb5: {  	_ =	sfence  }
0xb6: {  	s30 =	sld [smem:$0x0];
	_ =	sdelay $0x2  }
0xb7: {  	s31 =	sshll.u32 s1, $0xD;
	s1 =	sshrl.u32 s1, $0x2  }
0xb8: {  	s3 =	sand.u32 $0x4000, s31;
	s1 =	sadd.s32 s1, s30  }
0xb9: {  	s0 =	sor.u32 s3, s0;
	s1 =	sshll.u32 s1, $0x11  }
0xba: {  	s0 =	sor.u32 s1, s0  }
0xbb: {  	s0 =	sadd.s32 $0x8F2B, s0  }
0xbc: {  	[sflag:s0] =	ssyncadd.remote.s32 $0x1  }
0xbd: {  	_ =	sfence.sel $0xFFFF  }
0xbe: {  	[dreg:$0x0] =	wrdreg $0xFFFFFFFF;
	(pc) =	sbr.abs _section_cstart, $3  }
0xbf: {  	[dreg:$0x1] =	wrdreg $0xFFFFFFFF  }
0xc0: {  	_ =	task.clear_ibuf [dreg:s6], $0x2FFFF;
	_ =	strace $0x9FFFFFFF  }
0xc1: {  	(tm) =	ssettm $0x7FFFFFFF  }
tec
execute0_lowered:
.L_overlay_start_1:
0x0: {  	(tag) =	ssettag $0x1  }
0x1: {  	s6 =	rddreg [dreg:$0x0]  }
0x2: {  	s0 =	rddreg [dreg:$0x1];
	s3 =	srdreg.scid  }
0x3: {  	s1 =	stileid.u32;
	s2 =	simm.s32 $0x0;
	s15 =	simm.s32 $0x0  }
0x4: {  	s3 =	sand.u32 $0x1, s3;
	s4 =	sshll.u32 s1, $0x1;
	[smem:$0x7FF] =	sst s2  }
0x5: {  	s8 =	sadd.s32 $0x40000, s6;
	s7 =	sshrl.u32 s1, $0x2;
	s30 =	sadd.s32 $0x10, s6  }
0x6: {  	s4 =	sor.u32 s3, s4;
	_ =	strace $0x80000047;
	s3 =	ssub.s32 $0x2, s3  }
0x7: {  	s10 =	sshll.u32 s7, $0x13;
	s7 =	sshll.u32 s7, $0x7;
	s9 =	sand.u32 $0x7, s4  }
0x8: {  	s5 =	sshll.u32 s4, $0x4;
	s25 =	sshrl.u32 s3, $0x1;
	s11 =	sshll.u32 s9, $0x10  }
0x9: {  	s12 =	sadd.s32 s5, s6;
	s13 =	ssub.s32 s3, s25;
	s28 =	sshll.u32 s9, $0x8  }
0xa: {  	s9 =	sshll.u32 s9, $0x11;
	s26 =	sor.u32 s10, s11;
	s5 =	sor.u32 $0x80, s28  }
0xb: {  	s9 =	sor.u32 s7, s9;
	s11 =	simm.s32 $0x1;
	s29 =	sshrl.u32 s26, $0x3  }
0xc: {  	s14 =	sshll.u32 s5, $0x8;
	s5 =	sshll.u32 s5, $0x9;
	s9 =	sshrl.u32 s9, $0x3  }
0xd: {  	s3 =	sadd.s32 s6, s29;
	s4 =	sadd.s32 s29, s30;
	s10 =	sor.u32 s10, s14  }
0xe: {  	s7 =	sor.u32 s7, s5;
	s5 =	sadd.s32 s8, s9;
	s9 =	sadd.s32 $0x60000, s12  }
0xf: {  	s12 =	simm.s32 $0x2;
	s14 =	simm.s32 $0x3;
	s10 =	sshrl.u32 s10, $0x3  }
0x10: {  	s31 =	sshrl.u32 s7, $0x3;
	s6 =	sadd.s32 s6, s10;
	s7 =	sadd.s32 s10, s30  }
0x11: {  	s8 =	sadd.s32 s8, s31;
	s10 =	smax.u32 s13, $0x1;
	s13 =	simm.s32 $0x18000  }
.LBB2_1:
0x12: {  	s16 =	simm.s32 $0x20  }
0x13: {  	s19 =	sadd.s32 $0x0, s3;
	s17 =	simm.s32 $0x100;
	s18 =	simm.s32 $0x0  }
.LBB2_2:
0x14: {  	[tilespmem:s18], [sflag:$0x1] =	stream.linear.gather [hbm4b:s19+s2], $0x80, $0x38;
	[tilespmem:$0x18080] =	vst v63  }
0x15: {  	s19 =	smov.u32 s16;
	s18 =	smov.u32 s17;
	p0 =	sne.s32 s16, $0xFE0  }
.Ltmp0:
0x16: {  	s16 =	sadd.s32 $0x20, s16;
	(pc) =	sbr.rel @p0 .LBB2_2-.Ltmp0, $2  }
0x17: {  	_ =	sdelay $0x2  }
0x18: {  	s17 =	sadd.s32 $0x100, s17;
	s19 =	sadd.s32 s19, s3  }
0x19: {  	[tilespmem:s18], [sflag:$0x1] =	stream.linear.gather [hbm4b:s19+s2], $0x80, $0x38;
	[tilespmem:$0x18080] =	vst v63  }
0x1a: {  	s16 =	simm.s32 $0x8000  }
0x1b: {  	s17 =	simm.s32 $0x20;
	s19 =	sadd.s32 $0x0, s4;
	s18 =	simm.s32 $0x8100  }
.LBB2_4:
0x1c: {  	[tilespmem:s16], [sflag:$0x1] =	stream.linear.gather [hbm4b:s19+s2], $0x80, $0x38;
	[tilespmem:$0x18080] =	vst v63  }
0x1d: {  	s19 =	smov.u32 s17;
	s16 =	smov.u32 s18;
	p0 =	sne.s32 s17, $0xFE0  }
.Ltmp1:
0x1e: {  	s17 =	sadd.s32 $0x20, s17;
	(pc) =	sbr.rel @p0 .LBB2_4-.Ltmp1, $2  }
0x1f: {  	_ =	sdelay $0x2  }
0x20: {  	s18 =	sadd.s32 $0x100, s18;
	s19 =	sadd.s32 s19, s4  }
0x21: {  	[tilespmem:s16], [sflag:$0x1] =	stream.linear.gather [hbm4b:s19+s2], $0x80, $0x38;
	[tilespmem:$0x18080] =	vst v63  }
0x22: {  	s16 =	simm.s32 $0x10000  }
0x23: {  	s17 =	simm.s32 $0x40;
	s19 =	sadd.s32 $0x0, s5;
	s18 =	simm.s32 $0x10100  }
.LBB2_6:
0x24: {  	[tilespmem:s16], [sflag:$0x1] =	stream.linear.gather [hbm4b:s19+s2], $0x80, $0x38;
	[tilespmem:$0x18080] =	vst v63  }
0x25: {  	s19 =	smov.u32 s17;
	s16 =	smov.u32 s18;
	p0 =	sne.s32 s17, $0x1FC0  }
.Ltmp2:
0x26: {  	s17 =	sadd.s32 $0x40, s17;
	(pc) =	sbr.rel @p0 .LBB2_6-.Ltmp2, $2  }
0x27: {  	_ =	sdelay $0x2  }
0x28: {  	s18 =	sadd.s32 $0x100, s18;
	s19 =	sadd.s32 s19, s5  }
0x29: {  	[tilespmem:s16], [sflag:$0x1] =	stream.linear.gather [hbm4b:s19+s2], $0x80, $0x38;
	[tilespmem:$0x18080] =	vst v63  }
0x2a: {  	s16 =	simm.s32 $0x80  }
0x2b: {  	s17 =	simm.s32 $0x20;
	s19 =	sadd.s32 $0x0, s6;
	s18 =	simm.s32 $0x180  }
.LBB2_8:
0x2c: {  	[tilespmem:s16], [sflag:$0x2] =	stream.linear.gather [hbm4b:s19+s2], $0x80, $0x38;
	[tilespmem:$0x18080] =	vst v63  }
0x2d: {  	s19 =	smov.u32 s17;
	s16 =	smov.u32 s18;
	p0 =	sne.s32 s17, $0xFE0  }
.Ltmp3:
0x2e: {  	s17 =	sadd.s32 $0x20, s17;
	(pc) =	sbr.rel @p0 .LBB2_8-.Ltmp3, $2  }
0x2f: {  	_ =	sdelay $0x2  }
0x30: {  	s18 =	sadd.s32 $0x100, s18;
	s19 =	sadd.s32 s19, s6  }
0x31: {  	[tilespmem:s16], [sflag:$0x2] =	stream.linear.gather [hbm4b:s19+s2], $0x80, $0x38;
	[tilespmem:$0x18080] =	vst v63  }
0x32: {  	s16 =	simm.s32 $0x8080  }
0x33: {  	s17 =	simm.s32 $0x20;
	s19 =	sadd.s32 $0x0, s7;
	s18 =	simm.s32 $0x8180  }
.LBB2_10:
0x34: {  	[tilespmem:s16], [sflag:$0x2] =	stream.linear.gather [hbm4b:s19+s2], $0x80, $0x38;
	[tilespmem:$0x18080] =	vst v63  }
0x35: {  	s19 =	smov.u32 s17;
	s16 =	smov.u32 s18;
	p0 =	sne.s32 s17, $0xFE0  }
.Ltmp4:
0x36: {  	s17 =	sadd.s32 $0x20, s17;
	(pc) =	sbr.rel @p0 .LBB2_10-.Ltmp4, $2  }
0x37: {  	_ =	sdelay $0x2  }
0x38: {  	s18 =	sadd.s32 $0x100, s18;
	s19 =	sadd.s32 s19, s7  }
0x39: {  	[tilespmem:s16], [sflag:$0x2] =	stream.linear.gather [hbm4b:s19+s2], $0x80, $0x38;
	[tilespmem:$0x18080] =	vst v63  }
0x3a: {  	s16 =	simm.s32 $0x10080  }
0x3b: {  	s17 =	simm.s32 $0x40;
	s19 =	sadd.s32 $0x0, s8;
	s18 =	simm.s32 $0x10180  }
.LBB2_12:
0x3c: {  	[tilespmem:s16], [sflag:$0x2] =	stream.linear.gather [hbm4b:s19+s2], $0x80, $0x38;
	[tilespmem:$0x18080] =	vst v63  }
0x3d: {  	s19 =	smov.u32 s17;
	s16 =	smov.u32 s18;
	p0 =	sne.s32 s17, $0x1FC0  }
.Ltmp5:
0x3e: {  	s17 =	sadd.s32 $0x40, s17;
	(pc) =	sbr.rel @p0 .LBB2_12-.Ltmp5, $2  }
0x3f: {  	_ =	sdelay $0x2  }
0x40: {  	s18 =	sadd.s32 $0x100, s18;
	s19 =	sadd.s32 s19, s8  }
0x41: {  	[tilespmem:s16], [sflag:$0x2] =	stream.linear.gather [hbm4b:s19+s2], $0x80, $0x38;
	[tilespmem:$0x18080] =	vst v63  }
0x42: {  	_ =	swait.ge [sflag:s11], $0x4000  }
0x43: {  	[sflag:s11] =	ssyncset.done $0x0  }
0x44: {  	[sflag:s11] =	ssyncadd.s32 $0xFFFFC000  }
0x45: {  	_ =	swait.ge [sflag:s11], $0x4000  }
0x46: {  	[sflag:s11] =	ssyncset.done $0x0  }
0x47: {  	[sflag:s11] =	ssyncadd.s32 $0xFFFFC000  }
0x48: {  	s29 =	simm.s32 $0x0;
	_ =	swait.ge [sflag:s11], $0x4000  }
0x49: {  	s17 =	sand.u32 $0x40, s29;
	s16 =	sand.u32 $0x7F00, s29;
	[sflag:s11] =	ssyncset.done $0x0  }
0x4a: {  	s16 =	sor.u32 s17, s16;
	[sflag:s11] =	ssyncadd.s32 $0xFFFFC000  }
0x4b: {  	v0 =	vld [tilespmem:s16+$0x10030]  }
0x4c: {  	v1 =	vld [tilespmem:s16+$0x10020]  }
0x4d: {  	v2 =	vld [tilespmem:s16+$0x10000]  }
0x4e: {  	v3 =	vld [tilespmem:s16+$0x30]  }
0x4f: {  	v4 =	vld [tilespmem:s16+$0x8030]  }
0x50: {  	v5 =	vld [tilespmem:s16+$0x10010]  }
0x51: {  	v6 =	vld [tilespmem:s16+$0x0]  }
0x52: {  	v7 =	vld [tilespmem:s16+$0x8000]  }
0x53: {  	v8 =	vld [tilespmem:s16+$0x10]  }
0x54: {  	v9 =	vld [tilespmem:s16+$0x8010]  }
0x55: {  	v10 =	vld [tilespmem:s16+$0x20]  }
0x56: {  	s30 =	simm.s32 $0x80;
	s31 =	simm.s32 $0x40;
	vm0 =	veq.s32 v2, $0x0;
	v2 =	vld [tilespmem:s16+$0x8020]  }
0x57: {  	s17 =	sand.u32 $0x40, s31;
	s16 =	sand.u32 $0x7F00, s30;
	vm1 =	veq.s32 v5, $0x0;
	v6 =	vsel vm0, v6, v7  }
0x58: {  	vm2 =	veq.s32 v0, $0x0;
	vm0 =	veq.s32 v1, $0x0;
	s17 =	sor.u32 s17, s16;
	v1 =	vand.u32 $0x7FFFFF, v6  }
0x59: {  	v0 =	vsel vm1, v8, v9;
	v3 =	vsel vm2, v3, v4;
	v4 =	vld [tilespmem:s17+$0x10020];
	v1 =	vor.u32 $0x3F800000, v1  }
0x5a: {  	v5 =	vld [tilespmem:s17+$0x10030];
	v7 =	vand.u32 $0x7FFFFF, v0;
	v1 =	vadd.f32 $-1.000000000e+00, v1  }
0x5b: {  	v9 =	vld [tilespmem:s17+$0x10000];
	v14 =	vsub.f32 $1.000000000e+00, v3;
	v8 =	vsel vm0, v10, v2;
	v2 =	vor.u32 $0x3F800000, v7  }
0x5c: {  	v7 =	vand.u32 $0x7FFFFF, v3;
	v3 =	vshra.s32 v3, $0x17;
	v10 =	vmul.f32 $3.044900480e-02, v1  }
0x5d: {  	v2 =	vadd.f32 $-1.000000000e+00, v2;
	v11 =	vand.u32 $0x7FFFFF, v8;
	v7 =	vor.u32 $0x3F800000, v7  }
0x5e: {  	v11 =	vor.u32 $0x3F800000, v11;
	vm0 =	veq.s32 v4, $0x0;
	v4 =	vadd.f32 $-1.000000000e+00, v7  }
0x5f: {  	v10 =	vadd.f32 $-1.315818280e-01, v10;
	v13 =	vmul.f32 $3.044900480e-02, v2;
	v11 =	vadd.f32 $-1.000000000e+00, v11  }
0x60: {  	vm1 =	veq.s32 v5, $0x0;
	vm2 =	veq.s32 v9, $0x0;
	v9 =	vmul.f32 $3.044900480e-02, v4  }
0x61: {  	v5 =	vmul.f32 v10, v1;
	v7 =	vadd.f32 $-1.315818280e-01, v13;
	v10 =	vmul.f32 $3.044900480e-02, v11  }
0x62: {  	v15 =	vshra.s32 v8, $0x17;
	v16 =	vcvt.s32.f32 v3;
	v9 =	vadd.f32 $-1.315818280e-01, v9  }
0x63: {  	v5 =	vadd.f32 $2.852726880e-01, v5;
	v7 =	vmul.f32 v7, v2;
	v10 =	vadd.f32 $-1.315818280e-01, v10  }
0x64: {  	v15 =	vcvt.s32.f32 v15;
	v9 =	vmul.f32 v9, v4  }
0x65: {  	v5 =	vmul.f32 v5, v1;
	v7 =	vadd.f32 $2.852726880e-01, v7;
	v10 =	vmul.f32 v10, v11  }
0x66: {  	v13 =	vsub.f32 $1.000000000e+00, v0;
	v0 =	vshra.s32 v0, $0x17;
	v3 =	vadd.f32 $2.852726880e-01, v9  }
0x67: {  	v5 =	vadd.f32 $-4.902307090e-01, v5;
	v7 =	vmul.f32 v7, v2;
	v10 =	vadd.f32 $2.852726880e-01, v10  }
0x68: {  	v0 =	vcvt.s32.f32 v0;
	v3 =	vmul.f32 v3, v4  }
0x69: {  	v5 =	vmul.f32 v5, v1;
	v7 =	vadd.f32 $-4.902307090e-01, v7;
	v9 =	vmul.f32 v10, v11  }
0x6a: {  	v0 =	vmul.f32 $6.931471820e-01, v0;
	v10 =	vshra.s32 v6, $0x17;
	v3 =	vadd.f32 $-4.902307090e-01, v3  }
0x6b: {  	v5 =	vadd.f32 $9.992355100e-01, v5;
	v7 =	vmul.f32 v7, v2;
	v9 =	vadd.f32 $-4.902307090e-01, v9  }
0x6c: {  	v10 =	vcvt.s32.f32 v10;
	v3 =	vmul.f32 v3, v4  }
0x6d: {  	v17 =	vld [tilespmem:s17+$0x10010];
	v5 =	vmul.f32 v5, v1;
	v7 =	vadd.f32 $9.992355100e-01, v7;
	v9 =	vmul.f32 v9, v11  }
0x6e: {  	v18 =	vld [tilespmem:s17+$0x8000];
	v6 =	vsub.f32 $1.000000000e+00, v6;
	v10 =	vmul.f32 $6.931471820e-01, v10;
	v3 =	vadd.f32 $9.992355100e-01, v3  }
0x6f: {  	v1 =	vld [tilespmem:s17+$0x30];
	v5 =	vadd.f32 $-8.802967830e+01, v5;
	v2 =	vmul.f32 v7, v2;
	v7 =	vadd.f32 $9.992355100e-01, v9  }
0x70: {  	v12 =	vimm.f32 $0.0e+00;
	v6 =	vmul.f32 v6, v6;
	v9 =	vld [tilespmem:s17+$0x0];
	v4 =	vmul.f32 v3, v4  }
0x71: {  	v3 =	vld [tilespmem:s17+$0x10];
	v5 =	vadd.f32 v5, v10;
	v10 =	vadd.f32 $-8.802967830e+01, v2;
	v7 =	vmul.f32 v7, v11  }
0x72: {  	v8 =	vsub.f32 $1.000000000e+00, v8;
	v15 =	vmul.f32 $6.931471820e-01, v15;
	v13 =	vmul.f32 v13, v13;
	v2 =	vld [tilespmem:s17+$0x8030]  }
0x73: {  	v11 =	vmul.f32 v5, v6;
	v0 =	vadd.f32 v10, v0;
	v7 =	vadd.f32 $-8.802967830e+01, v7;
	v5 =	vld [tilespmem:s17+$0x8010]  }
0x74: {  	v10 =	vmul.f32 v8, v8;
	v6 =	vadd.f32 $-8.802967830e+01, v4;
	v8 =	vmul.f32 $6.931471820e-01, v16;
	v4 =	vld [tilespmem:s17+$0x20]  }
0x75: {  	v11 =	vadd.f32 v11, v12;
	v13 =	vmul.f32 v0, v13;
	v12 =	vadd.f32 v7, v15;
	v7 =	vld [tilespmem:s17+$0x8020]  }
0x76: {  	s18 =	simm.s32 $0x80;
	s16 =	simm.s32 $0x4;
	v0 =	vsel vm2, v9, v18;
	vm2 =	veq.s32 v17, $0x0;
	s17 =	simm.s32 $0x100;
	v9 =	vmul.f32 v14, v14  }
.LBB2_14:
0x77: {  	s19 =	sand.u32 $0x40, s18;
	s20 =	sand.u32 $0x7F00, s17;
	v11 =	vadd.f32 v13, v11;
	v10 =	vmul.f32 v12, v10;
	v6 =	vadd.f32 v6, v8  }
0x78: {  	v8 =	vand.u32 $0x7FFFFF, v0;
	v1 =	vsel vm1, v1, v2;
	s19 =	sor.u32 s19, s20;
	v3 =	vsel vm2, v3, v5  }
0x79: {  	v5 =	vor.u32 $0x3F800000, v8;
	v2 =	vld [tilespmem:s19+$0x10030];
	v8 =	vadd.f32 v10, v11;
	v6 =	vmul.f32 v6, v9  }
0x7a: {  	v5 =	vadd.f32 $-1.000000000e+00, v5;
	v10 =	vand.u32 $0x7FFFFF, v3;
	v9 =	vld [tilespmem:s19+$0x10020];
	v4 =	vsel vm0, v4, v7  }
0x7b: {  	v7 =	vor.u32 $0x3F800000, v10;
	v10 =	vand.u32 $0x7FFFFF, v1;
	v11 =	vadd.f32 v6, v8  }
0x7c: {  	v8 =	vmul.f32 $3.044900480e-02, v5;
	v7 =	vadd.f32 $-1.000000000e+00, v7;
	v12 =	vand.u32 $0x7FFFFF, v4;
	v6 =	vld [tilespmem:s19+$0x10000]  }
0x7d: {  	v10 =	vor.u32 $0x3F800000, v10;
	v12 =	vor.u32 $0x3F800000, v12  }
0x7e: {  	v8 =	vadd.f32 $-1.315818280e-01, v8;
	v13 =	vmul.f32 $3.044900480e-02, v7;
	v12 =	vadd.f32 $-1.000000000e+00, v12  }
0x7f: {  	vm1 =	veq.s32 v2, $0x0;
	vm0 =	veq.s32 v9, $0x0;
	v9 =	vadd.f32 $-1.000000000e+00, v10  }
0x80: {  	v2 =	vmul.f32 v8, v5;
	v8 =	vadd.f32 $-1.315818280e-01, v13;
	v10 =	vmul.f32 $3.044900480e-02, v12  }
0x81: {  	v14 =	vsub.f32 $1.000000000e+00, v1;
	vm2 =	veq.s32 v6, $0x0;
	v6 =	vmul.f32 $3.044900480e-02, v9  }
0x82: {  	v2 =	vadd.f32 $2.852726880e-01, v2;
	v8 =	vmul.f32 v8, v7;
	v10 =	vadd.f32 $-1.315818280e-01, v10  }
0x83: {  	v1 =	vshra.s32 v1, $0x17;
	v13 =	vsub.f32 $1.000000000e+00, v3;
	v6 =	vadd.f32 $-1.315818280e-01, v6  }
0x84: {  	v2 =	vmul.f32 v2, v5;
	v8 =	vadd.f32 $2.852726880e-01, v8;
	v10 =	vmul.f32 v10, v12  }
0x85: {  	v15 =	vshra.s32 v4, $0x17;
	v3 =	vshra.s32 v3, $0x17;
	v6 =	vmul.f32 v6, v9  }
0x86: {  	v2 =	vadd.f32 $-4.902307090e-01, v2;
	v8 =	vmul.f32 v8, v7;
	v10 =	vadd.f32 $2.852726880e-01, v10  }
0x87: {  	v16 =	vcvt.s32.f32 v1;
	v15 =	vcvt.s32.f32 v15;
	v1 =	vadd.f32 $2.852726880e-01, v6  }
0x88: {  	v2 =	vmul.f32 v2, v5;
	v6 =	vadd.f32 $-4.902307090e-01, v8;
	v8 =	vmul.f32 v10, v12  }
0x89: {  	v3 =	vcvt.s32.f32 v3;
	v10 =	vshra.s32 v0, $0x17;
	v1 =	vmul.f32 v1, v9  }
0x8a: {  	v2 =	vadd.f32 $9.992355100e-01, v2;
	v6 =	vmul.f32 v6, v7;
	v8 =	vadd.f32 $-4.902307090e-01, v8  }
0x8b: {  	v13 =	vmul.f32 v13, v13;
	v10 =	vcvt.s32.f32 v10;
	v17 =	vadd.f32 $-4.902307090e-01, v1  }
0x8c: {  	v5 =	vmul.f32 v2, v5;
	v6 =	vadd.f32 $9.992355100e-01, v6;
	v8 =	vmul.f32 v8, v12;
	v1 =	vld [tilespmem:s19+$0x30]  }
0x8d: {  	v0 =	vsub.f32 $1.000000000e+00, v0;
	v10 =	vmul.f32 $6.931471820e-01, v10;
	v2 =	vld [tilespmem:s19+$0x8030];
	v17 =	vmul.f32 v17, v9  }
0x8e: {  	s16 =	sadd.s32 $0x4, s16;
	v5 =	vadd.f32 $-8.802967830e+01, v5;
	v6 =	vmul.f32 v6, v7;
	v7 =	vadd.f32 $9.992355100e-01, v8;
	v18 =	vld [tilespmem:s19+$0x10010]  }
0x8f: {  	p0 =	slt.u32 s16, $0x3FC;
	v0 =	vmul.f32 v0, v0;
	v8 =	vmul.f32 $6.931471820e-01, v3;
	v19 =	vld [tilespmem:s19+$0x0];
	v17 =	vadd.f32 $9.992355100e-01, v17  }
0x90: {  	v10 =	vadd.f32 v5, v10;
	v6 =	vadd.f32 $-8.802967830e+01, v6;
	v7 =	vmul.f32 v7, v12;
	v20 =	vld [tilespmem:s19+$0x8000]  }
.Ltmp6:
0x91: {  	v12 =	vmul.f32 $6.931471820e-01, v15;
	v15 =	vsub.f32 $1.000000000e+00, v4;
	v3 =	vld [tilespmem:s19+$0x10];
	v9 =	vmul.f32 v17, v9;
	(pc) =	sbr.rel @p0 .LBB2_14-.Ltmp6, $4  }
0x92: {  	v0 =	vmul.f32 v10, v0;
	v17 =	vadd.f32 v6, v8;
	v21 =	vadd.f32 $-8.802967830e+01, v7;
	v5 =	vld [tilespmem:s19+$0x8010]  }
0x93: {  	v10 =	vmul.f32 v15, v15;
	v8 =	vmul.f32 $6.931471820e-01, v16;
	v4 =	vld [tilespmem:s19+$0x20];
	v6 =	vadd.f32 $-8.802967830e+01, v9  }
0x94: {  	v11 =	vadd.f32 v0, v11;
	v13 =	vmul.f32 v17, v13;
	v12 =	vadd.f32 v21, v12;
	v7 =	vld [tilespmem:s19+$0x8020]  }
0x95: {  	s17 =	sadd.s32 $0x80, s17;
	s18 =	sadd.s32 $0x40, s18;
	v9 =	vmul.f32 v14, v14;
	v0 =	vsel vm2, v19, v20;
	vm2 =	veq.s32 v18, $0x0  }
0x96: {  	v11 =	vadd.f32 v13, v11;
	v13 =	vand.u32 $0x7FFFFF, v0  }
0x97: {  	v10 =	vmul.f32 v12, v10;
	v3 =	vsel vm2, v3, v5;
	v5 =	vor.u32 $0x3F800000, v13  }
0x98: {  	v1 =	vsel vm1, v1, v2;
	v6 =	vadd.f32 v6, v8;
	v2 =	vadd.f32 $-1.000000000e+00, v5  }
0x99: {  	v5 =	vand.u32 $0x7FFFFF, v3;
	v10 =	vadd.f32 v10, v11;
	v4 =	vsel vm0, v4, v7  }
0x9a: {  	v5 =	vor.u32 $0x3F800000, v5;
	v7 =	vand.u32 $0x7FFFFF, v1;
	v12 =	vmul.f32 $3.044900480e-02, v2  }
0x9b: {  	v5 =	vadd.f32 $-1.000000000e+00, v5;
	v13 =	vand.u32 $0x7FFFFF, v4;
	v7 =	vor.u32 $0x3F800000, v7  }
0x9c: {  	v6 =	vmul.f32 v6, v9;
	v8 =	vor.u32 $0x3F800000, v13;
	v7 =	vadd.f32 $-1.000000000e+00, v7  }
0x9d: {  	v12 =	vadd.f32 $-1.315818280e-01, v12;
	v13 =	vmul.f32 $3.044900480e-02, v5;
	v8 =	vadd.f32 $-1.000000000e+00, v8  }
0x9e: {  	v6 =	vadd.f32 v6, v10;
	v10 =	vmul.f32 $3.044900480e-02, v7  }
0x9f: {  	v9 =	vmul.f32 v12, v2;
	v11 =	vadd.f32 $-1.315818280e-01, v13;
	v12 =	vmul.f32 $3.044900480e-02, v8  }
0xa0: {  	v10 =	vadd.f32 $-1.315818280e-01, v10  }
0xa1: {  	v9 =	vadd.f32 $2.852726880e-01, v9;
	v11 =	vmul.f32 v11, v5;
	v12 =	vadd.f32 $-1.315818280e-01, v12  }
0xa2: {  	_ =	swait.ge [sflag:s12], $0x4000;
	v16 =	vshra.s32 v0, $0x17;
	v10 =	vmul.f32 v10, v7  }
0xa3: {  	[sflag:s12] =	ssyncset.done $0x0;
	v9 =	vmul.f32 v9, v2;
	v11 =	vadd.f32 $2.852726880e-01, v11;
	v12 =	vmul.f32 v12, v8  }
0xa4: {  	v0 =	vsub.f32 $1.000000000e+00, v0;
	v16 =	vcvt.s32.f32 v16;
	[sflag:s12] =	ssyncadd.s32 $0xFFFFC000;
	v10 =	vadd.f32 $2.852726880e-01, v10  }
0xa5: {  	_ =	swait.ge [sflag:s12], $0x4000;
	v9 =	vadd.f32 $-4.902307090e-01, v9;
	v11 =	vmul.f32 v11, v5;
	v12 =	vadd.f32 $2.852726880e-01, v12  }
0xa6: {  	p0 =	por $0x0, $0x0;
	s16 =	simm.s32 $0x1;
	v14 =	vsub.f32 $1.000000000e+00, v3;
	v3 =	vshra.s32 v3, $0x17;
	[sflag:s12] =	ssyncset.done $0x0;
	v10 =	vmul.f32 v10, v7  }
0xa7: {  	s16 =	simm.s32 @!p0 $0x0;
	[sflag:s12] =	ssyncadd.s32 $0xFFFFC000;
	v9 =	vmul.f32 v9, v2;
	v11 =	vadd.f32 $-4.902307090e-01, v11;
	v12 =	vmul.f32 v12, v8  }
0xa8: {  	s16 =	sshll.u32 s16, $0x6;
	v0 =	vmul.f32 v0, v0;
	v3 =	vcvt.s32.f32 v3;
	_ =	swait.ge [sflag:s12], $0x4000;
	v10 =	vadd.f32 $-4.902307090e-01, v10  }
0xa9: {  	s16 =	sadd.s32 $0x0, s16;
	[sflag:s12] =	ssyncset.done $0x0;
	v9 =	vadd.f32 $9.992355100e-01, v9;
	v11 =	vmul.f32 v11, v5;
	v12 =	vadd.f32 $-4.902307090e-01, v12  }
0xaa: {  	v16 =	vmul.f32 $6.931471820e-01, v16;
	v15 =	vshra.s32 v4, $0x17;
	s18 =	sor.u32 $0xA0, s16;
	[sflag:s12] =	ssyncadd.s32 $0xFFFFC000;
	v10 =	vmul.f32 v10, v7  }
0xab: {  	s17 =	sor.u32 $0xB0, s16;
	v17 =	vld [tilespmem:s18+$0x10000];
	v2 =	vmul.f32 v9, v2;
	v9 =	vadd.f32 $9.992355100e-01, v11;
	v11 =	vmul.f32 v12, v8  }
0xac: {  	v14 =	vmul.f32 v14, v14;
	v15 =	vcvt.s32.f32 v15;
	v18 =	vld [tilespmem:s17+$0x0];
	v10 =	vadd.f32 $9.992355100e-01, v10  }
0xad: {  	s19 =	sor.u32 $0x80, s16;
	v12 =	vld [tilespmem:s17+$0x10000];
	v2 =	vadd.f32 $-8.802967830e+01, v2;
	v5 =	vmul.f32 v9, v5;
	v9 =	vadd.f32 $9.992355100e-01, v11  }
0xae: {  	s16 =	sor.u32 $0x90, s16;
	v4 =	vsub.f32 $1.000000000e+00, v4;
	v3 =	vmul.f32 $6.931471820e-01, v3;
	v11 =	vld [tilespmem:s19+$0x10000];
	v7 =	vmul.f32 v10, v7  }
0xaf: {  	v10 =	vld [tilespmem:s16+$0x10000];
	v2 =	vadd.f32 v2, v16;
	v5 =	vadd.f32 $-8.802967830e+01, v5;
	v8 =	vmul.f32 v9, v8  }
0xb0: {  	v15 =	vmul.f32 $6.931471820e-01, v15;
	v13 =	vsub.f32 $1.000000000e+00, v1;
	v1 =	vshra.s32 v1, $0x17;
	v9 =	vld [tilespmem:s17+$0x8000]  }
0xb1: {  	v0 =	vmul.f32 v2, v0;
	v2 =	vadd.f32 v5, v3;
	v3 =	vadd.f32 $-8.802967830e+01, v8;
	v5 =	vld [tilespmem:s19+$0x0]  }
0xb2: {  	v4 =	vmul.f32 v4, v4;
	v1 =	vcvt.s32.f32 v1;
	v8 =	vld [tilespmem:s19+$0x8000]  }
0xb3: {  	v0 =	vadd.f32 v0, v6;
	v2 =	vmul.f32 v2, v14;
	v3 =	vadd.f32 v3, v15;
	v6 =	vld [tilespmem:s16+$0x0]  }
0xb4: {  	p0 =	por !p0, !p0;
	v1 =	vmul.f32 $6.931471820e-01, v1;
	v7 =	vadd.f32 $-8.802967830e+01, v7;
	v14 =	vld [tilespmem:s16+$0x8000];
	s16 =	simm.s32 $0x1  }
0xb5: {  	s16 =	simm.s32 @!p0 $0x0;
	v0 =	vadd.f32 v2, v0;
	v2 =	vmul.f32 v3, v4;
	v3 =	vld [tilespmem:s18+$0x0]  }
0xb6: {  	v13 =	vmul.f32 v13, v13;
	v1 =	vadd.f32 v7, v1;
	vm0 =	veq.s32 v11, $0x0;
	v4 =	vld [tilespmem:s18+$0x8000];
	s16 =	sshll.u32 s16, $0x6  }
0xb7: {  	vm2 =	veq.s32 v12, $0x0;
	vm1 =	veq.s32 v10, $0x0;
	v5 =	vsel vm0, v5, v8;
	s29 =	sadd.s32 $0x80, s16  }
0xb8: {  	v1 =	vmul.f32 v1, v13;
	v0 =	vadd.f32 v2, v0;
	s30 =	sor.u32 $0xB0, s29;
	v2 =	vand.u32 $0x7FFFFF, v5  }
0xb9: {  	vm0 =	veq.s32 v17, $0x0;
	s16 =	sor.u32 $0xA0, s29;
	v6 =	vsel vm1, v6, v14;
	v7 =	vld [tilespmem:s30+$0x10000];
	v2 =	vor.u32 $0x3F800000, v2  }
0xba: {  	v8 =	vsel vm2, v18, v9;
	v9 =	vld [tilespmem:s16+$0x10000];
	v10 =	vadd.f32 $-1.000000000e+00, v2;
	v2 =	vand.u32 $0x7FFFFF, v6  }
0xbb: {  	s31 =	sor.u32 $0x80, s29;
	v11 =	vsel vm0, v3, v4;
	v2 =	vor.u32 $0x3F800000, v2;
	v3 =	vand.u32 $0x7FFFFF, v8  }
0xbc: {  	v4 =	vld [tilespmem:s31+$0x10000];
	v12 =	vmul.f32 $3.044900480e-02, v10;
	v13 =	vadd.f32 $-1.000000000e+00, v2;
	v2 =	vand.u32 $0x7FFFFF, v11  }
0xbd: {  	v0 =	vadd.f32 v1, v0;
	v1 =	vor.u32 $0x3F800000, v2;
	v2 =	vor.u32 $0x3F800000, v3  }
0xbe: {  	v3 =	vadd.f32 $-1.315818280e-01, v12;
	v12 =	vmul.f32 $3.044900480e-02, v13;
	v14 =	vadd.f32 $-1.000000000e+00, v1  }
0xbf: {  	vm0 =	veq.s32 v9, $0x0;
	vm1 =	veq.s32 v7, $0x0;
	v15 =	vadd.f32 $-1.000000000e+00, v2  }
0xc0: {  	v2 =	vmul.f32 v3, v10;
	v3 =	vadd.f32 $-1.315818280e-01, v12;
	v7 =	vmul.f32 $3.044900480e-02, v14  }
0xc1: {  	v1 =	vsub.f32 $1.000000000e+00, v8;
	vm2 =	veq.s32 v4, $0x0;
	v4 =	vmul.f32 $3.044900480e-02, v15  }
0xc2: {  	v2 =	vadd.f32 $2.852726880e-01, v2;
	v3 =	vmul.f32 v3, v13;
	v7 =	vadd.f32 $-1.315818280e-01, v7  }
0xc3: {  	v9 =	vsub.f32 $1.000000000e+00, v6;
	v8 =	vshra.s32 v8, $0x17;
	v4 =	vadd.f32 $-1.315818280e-01, v4  }
0xc4: {  	v2 =	vmul.f32 v2, v10;
	v3 =	vadd.f32 $2.852726880e-01, v3;
	v7 =	vmul.f32 v7, v14  }
0xc5: {  	v6 =	vshra.s32 v6, $0x17;
	v18 =	vcvt.s32.f32 v8;
	v4 =	vmul.f32 v4, v15  }
0xc6: {  	v2 =	vadd.f32 $-4.902307090e-01, v2;
	v3 =	vmul.f32 v3, v13;
	v7 =	vadd.f32 $2.852726880e-01, v7  }
0xc7: {  	v8 =	vshra.s32 v5, $0x17;
	v16 =	vcvt.s32.f32 v6;
	v4 =	vadd.f32 $2.852726880e-01, v4  }
0xc8: {  	v2 =	vmul.f32 v2, v10;
	v3 =	vadd.f32 $-4.902307090e-01, v3;
	v7 =	vmul.f32 v7, v14  }
0xc9: {  	v12 =	vshra.s32 v11, $0x17;
	v8 =	vcvt.s32.f32 v8;
	v6 =	vmul.f32 v4, v15  }
0xca: {  	v17 =	vadd.f32 $9.992355100e-01, v2;
	v3 =	vmul.f32 v3, v13;
	v7 =	vadd.f32 $-4.902307090e-01, v7  }
0xcb: {  	v12 =	vcvt.s32.f32 v12;
	v4 =	vmul.f32 v9, v9;
	v6 =	vadd.f32 $-4.902307090e-01, v6  }
0xcc: {  	v2 =	vld [tilespmem:s30+$0x0];
	v9 =	vmul.f32 v17, v10;
	v10 =	vadd.f32 $9.992355100e-01, v3;
	v7 =	vmul.f32 v7, v14  }
0xcd: {  	s17 =	sor.u32 $0x90, s29;
	v8 =	vmul.f32 $6.931471820e-01, v8;
	v3 =	vld [tilespmem:s30+$0x8000];
	v17 =	vsub.f32 $1.000000000e+00, v5;
	v19 =	vmul.f32 v6, v15  }
0xce: {  	v5 =	vld [tilespmem:s17+$0x10000];
	v20 =	vadd.f32 $-8.802967830e+01, v9;
	v10 =	vmul.f32 v10, v13;
	v7 =	vadd.f32 $9.992355100e-01, v7  }
0xcf: {  	v16 =	vmul.f32 $6.931471820e-01, v16;
	v6 =	vld [tilespmem:s31+$0x0];
	v17 =	vmul.f32 v17, v17;
	v19 =	vadd.f32 $9.992355100e-01, v19  }
0xd0: {  	v9 =	vld [tilespmem:s31+$0x8000];
	v8 =	vadd.f32 v20, v8;
	v63 =	vadd.f32 $-8.802967830e+01, v10;
	v14 =	vmul.f32 v7, v14  }
0xd1: {  	v11 =	vsub.f32 $1.000000000e+00, v11;
	v13 =	vmul.f32 $6.931471820e-01, v12;
	v7 =	vld [tilespmem:s17+$0x0];
	v12 =	vmul.f32 v19, v15  }
0xd2: {  	v10 =	vld [tilespmem:s17+$0x8000];
	v15 =	vmul.f32 v8, v17;
	v16 =	vadd.f32 v63, v16;
	v17 =	vadd.f32 $-8.802967830e+01, v14  }
0xd3: {  	p0 =	por !p0, !p0;
	s18 =	simm.s32 $0x4;
	s17 =	simm.s32 $0x80;
	v8 =	vld [tilespmem:s16+$0x0];
	v14 =	vmul.f32 v11, v11;
	v11 =	vadd.f32 $-8.802967830e+01, v12;
	v12 =	vmul.f32 $6.931471820e-01, v18  }
.LBB2_16:
0xd4: {  	s19 =	simm.s32 $0x1  }
0xd5: {  	v18 =	vld [tilespmem:s16+$0x8000];
	v0 =	vadd.f32 v15, v0;
	v4 =	vmul.f32 v16, v4;
	v13 =	vadd.f32 v17, v13;
	s19 =	simm.s32 @!p0 $0x0  }
0xd6: {  	s17 =	sadd.s32 $0x80, s17;
	v1 =	vmul.f32 v1, v1;
	v6 =	vsel vm2, v6, v9;
	vm2 =	veq.s32 v5, $0x0;
	s16 =	sshll.u32 s19, $0x6  }
0xd7: {  	v5 =	vadd.f32 v11, v12;
	v0 =	vadd.f32 v4, v0;
	v4 =	vmul.f32 v13, v14;
	s19 =	sadd.s32 s16, s17  }
0xd8: {  	v2 =	vsel vm1, v2, v3;
	v9 =	vand.u32 $0x7FFFFF, v6;
	v7 =	vsel vm2, v7, v10;
	s21 =	sor.u32 $0xB0, s19  }
0xd9: {  	v9 =	vor.u32 $0x3F800000, v9;
	v1 =	vmul.f32 v5, v1;
	s16 =	sor.u32 $0xA0, s19;
	v0 =	vadd.f32 v4, v0;
	v3 =	vld [tilespmem:s21+$0x10000]  }
0xda: {  	v5 =	vadd.f32 $-1.000000000e+00, v9;
	v9 =	vand.u32 $0x7FFFFF, v7;
	v8 =	vsel vm0, v8, v18;
	v4 =	vld [tilespmem:s16+$0x10000]  }
0xdb: {  	v10 =	vand.u32 $0x7FFFFF, v2;
	s20 =	sor.u32 $0x80, s19;
	v9 =	vor.u32 $0x3F800000, v9;
	v0 =	vadd.f32 v1, v0  }
0xdc: {  	v11 =	vmul.f32 $3.044900480e-02, v5;
	v9 =	vadd.f32 $-1.000000000e+00, v9;
	v12 =	vand.u32 $0x7FFFFF, v8;
	v1 =	vld [tilespmem:s20+$0x10000]  }
0xdd: {  	v10 =	vor.u32 $0x3F800000, v10;
	v12 =	vor.u32 $0x3F800000, v12  }
0xde: {  	v11 =	vadd.f32 $-1.315818280e-01, v11;
	v13 =	vmul.f32 $3.044900480e-02, v9;
	v12 =	vadd.f32 $-1.000000000e+00, v12  }
0xdf: {  	v10 =	vadd.f32 $-1.000000000e+00, v10;
	vm1 =	veq.s32 v3, $0x0;
	vm0 =	veq.s32 v4, $0x0  }
0xe0: {  	v3 =	vmul.f32 v11, v5;
	v11 =	vmul.f32 $3.044900480e-02, v12;
	v4 =	vadd.f32 $-1.315818280e-01, v13  }
0xe1: {  	v13 =	vmul.f32 $3.044900480e-02, v10;
	vm2 =	veq.s32 v1, $0x0;
	v1 =	vsub.f32 $1.000000000e+00, v2  }
0xe2: {  	v3 =	vadd.f32 $2.852726880e-01, v3;
	v11 =	vadd.f32 $-1.315818280e-01, v11;
	v4 =	vmul.f32 v4, v9  }
0xe3: {  	v14 =	vsub.f32 $1.000000000e+00, v7;
	v2 =	vshra.s32 v2, $0x17;
	v13 =	vadd.f32 $-1.315818280e-01, v13  }
0xe4: {  	v3 =	vmul.f32 v3, v5;
	v11 =	vmul.f32 v11, v12;
	v4 =	vadd.f32 $2.852726880e-01, v4  }
0xe5: {  	v7 =	vshra.s32 v7, $0x17;
	v15 =	vshra.s32 v8, $0x17;
	v13 =	vmul.f32 v13, v10  }
0xe6: {  	v3 =	vadd.f32 $-4.902307090e-01, v3;
	v11 =	vadd.f32 $2.852726880e-01, v11;
	v4 =	vmul.f32 v4, v9  }
0xe7: {  	v15 =	vcvt.s32.f32 v15;
	v18 =	vcvt.s32.f32 v2;
	v2 =	vadd.f32 $2.852726880e-01, v13  }
0xe8: {  	v3 =	vmul.f32 v3, v5;
	v11 =	vmul.f32 v11, v12;
	v4 =	vadd.f32 $-4.902307090e-01, v4  }
0xe9: {  	v7 =	vcvt.s32.f32 v7;
	v13 =	vshra.s32 v6, $0x17;
	v2 =	vmul.f32 v2, v10  }
0xea: {  	v3 =	vadd.f32 $9.992355100e-01, v3;
	v11 =	vadd.f32 $-4.902307090e-01, v11;
	v16 =	vmul.f32 v4, v9  }
0xeb: {  	v13 =	vcvt.s32.f32 v13;
	v4 =	vmul.f32 v14, v14;
	v14 =	vadd.f32 $-4.902307090e-01, v2  }
0xec: {  	s18 =	sadd.s32 $0x4, s18;
	v17 =	vmul.f32 v3, v5;
	v11 =	vmul.f32 v11, v12;
	v16 =	vadd.f32 $9.992355100e-01, v16;
	v2 =	vld [tilespmem:s21+$0x0]  }
0xed: {  	p1 =	slt.u32 s18, $0x3FC;
	v19 =	vsub.f32 $1.000000000e+00, v6;
	s19 =	sor.u32 $0x90, s19;
	v13 =	vmul.f32 $6.931471820e-01, v13;
	v14 =	vmul.f32 v14, v10;
	v3 =	vld [tilespmem:s21+$0x8000]  }
0xee: {  	v17 =	vadd.f32 $-8.802967830e+01, v17;
	v11 =	vadd.f32 $9.992355100e-01, v11;
	v16 =	vmul.f32 v16, v9;
	v5 =	vld [tilespmem:s19+$0x10000]  }
.Ltmp7:
0xef: {  	v19 =	vmul.f32 v19, v19;
	v20 =	vmul.f32 $6.931471820e-01, v7;
	v14 =	vadd.f32 $9.992355100e-01, v14;
	v6 =	vld [tilespmem:s20+$0x0];
	(pc) =	sbr.rel @p1 .LBB2_16-.Ltmp7, $4  }
0xf0: {  	v17 =	vadd.f32 v17, v13;
	v11 =	vmul.f32 v11, v12;
	v16 =	vadd.f32 $-8.802967830e+01, v16;
	v9 =	vld [tilespmem:s20+$0x8000]  }
0xf1: {  	v13 =	vmul.f32 $6.931471820e-01, v15;
	v12 =	vsub.f32 $1.000000000e+00, v8;
	v21 =	vmul.f32 v14, v10;
	v7 =	vld [tilespmem:s19+$0x0]  }
0xf2: {  	v15 =	vmul.f32 v17, v19;
	v17 =	vadd.f32 $-8.802967830e+01, v11;
	v16 =	vadd.f32 v16, v20;
	v10 =	vld [tilespmem:s19+$0x8000]  }
0xf3: {  	p0 =	por !p0, !p0;
	v14 =	vmul.f32 v12, v12;
	v12 =	vmul.f32 $6.931471820e-01, v18;
	v11 =	vadd.f32 $-8.802967830e+01, v21;
	v8 =	vld [tilespmem:s16+$0x0]  }
0xf4: {  	v18 =	vld [tilespmem:s16+$0x8000];
	v0 =	vadd.f32 v15, v0;
	v4 =	vmul.f32 v16, v4  }
0xf5: {  	v13 =	vadd.f32 v17, v13;
	vm15 =	veq.s32 v5, $0x0;
	v6 =	vsel vm2, v6, v9  }
0xf6: {  	v1 =	vmul.f32 v1, v1;
	v2 =	vsel vm1, v2, v3;
	v35 =	vand.u32 $0x7FFFFF, v6  }
0xf7: {  	v0 =	vadd.f32 v4, v0;
	v7 =	vsel vm15, v7, v10;
	v4 =	vor.u32 $0x3F800000, v35  }
0xf8: {  	v39 =	vand.u32 $0x7FFFFF, v2;
	v37 =	vadd.f32 $-1.000000000e+00, v4;
	v38 =	vand.u32 $0x7FFFFF, v7  }
0xf9: {  	v11 =	vadd.f32 v11, v12;
	v8 =	vsel vm0, v8, v18;
	v4 =	vor.u32 $0x3F800000, v38  }
0xfa: {  	v40 =	vmul.f32 $3.044900480e-02, v37;
	v4 =	vadd.f32 $-1.000000000e+00, v4;
	v41 =	vand.u32 $0x7FFFFF, v8  }
0xfb: {  	v49 =	vsub.f32 $1.000000000e+00, v2;
	v9 =	vor.u32 $0x3F800000, v39;
	v42 =	vor.u32 $0x3F800000, v41  }
0xfc: {  	v10 =	vadd.f32 $-1.315818280e-01, v40;
	v43 =	vmul.f32 $3.044900480e-02, v4;
	v12 =	vadd.f32 $-1.000000000e+00, v42  }
0xfd: {  	v2 =	vshra.s32 v2, $0x17;
	v36 =	vmul.f32 v13, v14;
	v44 =	vadd.f32 $-1.000000000e+00, v9  }
0xfe: {  	v45 =	vmul.f32 v10, v37;
	v46 =	vadd.f32 $-1.315818280e-01, v43;
	v47 =	vmul.f32 $3.044900480e-02, v12  }
0xff: {  	v1 =	vmul.f32 v11, v1;
	v0 =	vadd.f32 v36, v0;
	v48 =	vmul.f32 $3.044900480e-02, v44  }
0x100: {  	v9 =	vadd.f32 $2.852726880e-01, v45;
	v10 =	vmul.f32 v46, v4;
	v11 =	vadd.f32 $-1.315818280e-01, v47  }
0x101: {  	v2 =	vcvt.s32.f32 v2;
	v0 =	vadd.f32 v1, v0;
	v1 =	vadd.f32 $-1.315818280e-01, v48  }
0x102: {  	v9 =	vmul.f32 v9, v37;
	v10 =	vadd.f32 $2.852726880e-01, v10;
	v11 =	vmul.f32 v11, v12  }
0x103: {  	v52 =	vshra.s32 v6, $0x17;
	v6 =	vsub.f32 $1.000000000e+00, v6;
	v1 =	vmul.f32 v1, v44  }
0x104: {  	v9 =	vadd.f32 $-4.902307090e-01, v9;
	v10 =	vmul.f32 v10, v4;
	v11 =	vadd.f32 $2.852726880e-01, v11  }
0x105: {  	v16 =	vcvt.s32.f32 v52;
	v50 =	vsub.f32 $1.000000000e+00, v7;
	v1 =	vadd.f32 $2.852726880e-01, v1  }
0x106: {  	v9 =	vmul.f32 v9, v37;
	v10 =	vadd.f32 $-4.902307090e-01, v10;
	v11 =	vmul.f32 v11, v12  }
0x107: {  	v7 =	vshra.s32 v7, $0x17;
	v6 =	vmul.f32 v6, v6;
	v1 =	vmul.f32 v1, v44  }
0x108: {  	v9 =	vadd.f32 $9.992355100e-01, v9;
	v10 =	vmul.f32 v10, v4;
	v11 =	vadd.f32 $-4.902307090e-01, v11  }
0x109: {  	v7 =	vcvt.s32.f32 v7;
	v55 =	vmul.f32 $6.931471820e-01, v16;
	v1 =	vadd.f32 $-4.902307090e-01, v1  }
0x10a: {  	v3 =	vmul.f32 v9, v37;
	v53 =	vadd.f32 $9.992355100e-01, v10;
	v54 =	vmul.f32 v11, v12  }
0x10b: {  	v51 =	vshra.s32 v8, $0x17;
	v14 =	vmul.f32 v50, v50;
	v1 =	vmul.f32 v1, v44  }
0x10c: {  	v3 =	vadd.f32 $-8.802967830e+01, v3;
	v4 =	vmul.f32 v53, v4;
	v56 =	vadd.f32 $9.992355100e-01, v54  }
0x10d: {  	v15 =	vcvt.s32.f32 v51;
	v7 =	vmul.f32 $6.931471820e-01, v7;
	v1 =	vadd.f32 $9.992355100e-01, v1  }
0x10e: {  	v3 =	vadd.f32 v3, v55;
	v4 =	vadd.f32 $-8.802967830e+01, v4;
	v9 =	vmul.f32 v56, v12  }
0x10f: {  	v8 =	vsub.f32 $1.000000000e+00, v8;
	v57 =	vmul.f32 $6.931471820e-01, v15;
	v1 =	vmul.f32 v1, v44  }
0x110: {  	v3 =	vmul.f32 v3, v6;
	v4 =	vadd.f32 v4, v7;
	v58 =	vadd.f32 $-8.802967830e+01, v9  }
0x111: {  	v2 =	vmul.f32 $6.931471820e-01, v2;
	v59 =	vmul.f32 v8, v8;
	v1 =	vadd.f32 $-8.802967830e+01, v1  }
0x112: {  	v0 =	vadd.f32 v3, v0;
	v60 =	vmul.f32 v4, v14;
	v61 =	vadd.f32 v58, v57  }
0x113: {  	v62 =	vmul.f32 v49, v49  }
0x114: {  	v1 =	vadd.f32 v1, v2;
	v0 =	vadd.f32 v60, v0;
	v63 =	vmul.f32 v61, v59;
	_ =	sdelay $0x1  }
0x115: {  	v1 =	vmul.f32 v1, v62;
	v0 =	vadd.f32 v63, v0;
	_ =	sdelay $0x1  }
0x116: {  	s15 =	sadd.s32 $0x1, s15;
	v0 =	vadd.f32 v1, v0  }
0x117: {  	p0 =	sne.s32 s15, s10  }
.Ltmp8:
0x118: {  	[tilespmem:$0x18000] =	vst v0;
	(pc) =	sbr.rel @p0 .LBB2_1-.Ltmp8, $4  }
0x119: {  	[hbm4b:s9+s2] =	stream.linear.scatter [tilespmem:s13], [sflag:$0x3], $0x80, $0x38;
	[tilespmem:$0x18080] =	vst v63  }
0x11a: {  	_ =	swait.ge [sflag:s14], $0x80  }
0x11b: {  	[sflag:s14] =	ssyncset.done $0x0  }
0x11c: {  	[sflag:s14] =	ssyncadd.s32 $0xFFFFFF80  }
0x11d: {  	_ =	sfence.sel $0x180000  }
0x11e: {  	[bflag:$0x0] =	sbarrier.arrive $0xFFFF  }
0x11f: {  	p0 =	sne.s32 s1, $0x0;
	_ =	strace $0x90000047  }
0x120: {  	s0 =	sadd.s32 @!p0 $0x100000, s0;
	[bflag:$0x2] =	sbarrier.arrive $0xFFFF  }
0x121: {  	[sflag:s0] =	ssyncadd.tile.s32 @!p0 $0x1;
	_ =	shalt  }
.Lfunc_end2:
_tile_overlayer_lowered:
.L_overlay_start_2:
0x122: {  	(tag) =	ssettag $0x2  }
0x123: {  	s0 =	rddreg [dreg:$0x0];
	s2 =	stileid.u32  }
0x124: {  	s1 =	rddreg [dreg:$0x1];
	p0 =	sne.s32 s2, $0x0  }
0x125: {  	s3 =	rddreg [dreg:$0x2];
	[bflag:$0x3] =	sbarrier.arrive $0xFFFF;
	s2 =	simm.s32 @!p0 $0x1C03  }
0x126: {  	[timem:s3], [sflag:s2] =	dma.local @!p0 [hbm:s0], s1  }
0x127: {  	s0 =	simm.s32 @!p0 $0x3  }
0x128: {  	_ =	swait.ge @!p0 [sflag:s0], s1  }
0x129: {  	s1 =	ssub.s32 @!p0 $0x0, s1;
	[sflag:s0] =	ssyncset.done @!p0 $0x0  }
0x12a: {  	[sflag:s0] =	ssyncadd.s32 @!p0 s1  }
0x12b: {  	[bflag:$0x3] =	sbarrier.arrive $0xFFFF  }
0x12c: {  	_ =	shalt  }

</sc_bundles>
